<compile_context>
chip_gen: v7x
topology: tpu7x:2x2x1
jax: 0.10.2.dev20260603
libtpu: 0.0.44.dev20260713+nightly
codegen_flags: <defaults>
</compile_context>

<pallas_src>
import jax
import jax.numpy as jnp
from jax import lax
from jax.experimental import pallas as pl
from jax.experimental.pallas import tpu as pltpu, tpu_sc as plsc

NUM_RAYS = 262144
L = 16
NW = 32
RW = NUM_RAYS // NW

_GATHER_DNUMS = lax.GatherDimensionNumbers(
    offset_dims=(), collapsed_slice_dims=(0,), start_index_map=(0,))


def _lane_gather(t, c):
    return lax.gather(
        t, c[:, None], _GATHER_DNUMS, (1,),
        indices_are_sorted=False, unique_indices=False,
        mode=lax.GatherScatterMode.PROMISE_IN_BOUNDS)


def _rsqrt(s):
    i = plsc.bitcast(s, jnp.int32)
    i = jnp.int32(0x5F3759DF) - lax.shift_right_logical(i, 1)
    y = plsc.bitcast(i, jnp.float32)
    half_s = 0.5 * s
    for _ in range(3):
        y = y * (1.5 - half_s * y * y)
    return y


def _body(c0_hbm, px_hbm, py_hbm, pz_hbm, tbl_hbm,
          o0_hbm, o1_hbm, o2_hbm, o3_hbm, o4_hbm, o5_hbm,
          c0_v, px_v, py_v, pz_v, o0_v, o1_v, o2_v, o3_v, o4_v, o5_v, tbl_v,
          sem):
    wid = lax.axis_index("s") * 2 + lax.axis_index("c")
    base = wid * RW
    cps = [
        pltpu.make_async_copy(c0_hbm.at[pl.ds(base, RW)], c0_v, sem),
        pltpu.make_async_copy(px_hbm.at[pl.ds(base, RW)], px_v, sem),
        pltpu.make_async_copy(py_hbm.at[pl.ds(base, RW)], py_v, sem),
        pltpu.make_async_copy(pz_hbm.at[pl.ds(base, RW)], pz_v, sem),
    ]
    for cp in cps:
        cp.start()
    pltpu.sync_copy(tbl_hbm, tbl_v)

    lane = lax.iota(jnp.int32, L)
    l8 = lax.bitwise_and(lane, 7) * 12
    t = [plsc.load_gather(tbl_v, [l8 + k]) for k in range(12)]

    for cp in cps:
        cp.wait()

    @plsc.parallel_loop(0, RW, L, unroll=4)
    def step(r):
        sl = pl.ds(r, L)
        c = c0_v[sl]
        px = px_v[sl]
        py = py_v[sl]
        pz = pz_v[sl]
        g = lambda k: _lane_gather(t[k], c)
        dx = g(0) * px + g(1) * py + g(2) * pz
        dy = g(4) * px + g(5) * py + g(6) * pz
        dz = g(8) * px + g(9) * py + g(10) * pz
        s = jnp.maximum(dx * dx + dy * dy + dz * dz, 1e-16)
        inv = _rsqrt(s)
        o0_v[sl] = g(3)
        o1_v[sl] = g(7)
        o2_v[sl] = g(11)
        o3_v[sl] = dx * inv
        o4_v[sl] = dy * inv
        o5_v[sl] = dz * inv

    ocs = [
        pltpu.make_async_copy(o0_v, o0_hbm.at[pl.ds(base, RW)], sem),
        pltpu.make_async_copy(o1_v, o1_hbm.at[pl.ds(base, RW)], sem),
        pltpu.make_async_copy(o2_v, o2_hbm.at[pl.ds(base, RW)], sem),
        pltpu.make_async_copy(o3_v, o3_hbm.at[pl.ds(base, RW)], sem),
        pltpu.make_async_copy(o4_v, o4_hbm.at[pl.ds(base, RW)], sem),
        pltpu.make_async_copy(o5_v, o5_hbm.at[pl.ds(base, RW)], sem),
    ]
    for oc in ocs:
        oc.start()
    for oc in ocs:
        oc.wait()


@jax.jit
def _run(c0, px, py, pz, tbl_flat):
    mesh = plsc.VectorSubcoreMesh(core_axis_name="c", subcore_axis_name="s")
    vec = jax.ShapeDtypeStruct((NUM_RAYS,), jnp.float32)
    return pl.kernel(
        _body,
        out_type=(vec,) * 6,
        mesh=mesh,
        compiler_params=pltpu.CompilerParams(needs_layout_passes=False),
        scratch_types=[
            pltpu.VMEM((RW,), jnp.int32),
        ] + [pltpu.VMEM((RW,), jnp.float32)] * 9 + [
            pltpu.VMEM((96,), jnp.float32),
            pltpu.SemaphoreType.DMA,
        ],
    )(c0, px, py, pz, tbl_flat)


def kernel(ray_indices, points, lidar_to_worlds):
    c0 = ray_indices[:, 0].astype(jnp.int32)
    outs = _run(c0, points[:, 0], points[:, 1], points[:, 2],
                lidar_to_worlds.reshape(-1))
    return jnp.stack(outs, axis=-1)

# --- scband reference (transcript-rebuilt; emitter-appended) ---
"""Pipeline reference for scband-lidar-ray-generator-46497315946718 (READ-ONLY COPY).

The authoritative reference and input builder live on the scoring server;
editing this copy changes nothing except your own understanding.
"""

import jax, jax.numpy as jnp
import numpy as np

NUM_RAYS = 262144
NUM_LIDARS = 8


def setup_inputs(seed: int = 0) -> dict:
    key = jax.random.key(seed)
    k1, k2, k3 = jax.random.split(key, 3)
    ray_indices = jax.random.randint(k1, (NUM_RAYS, 2), 0, NUM_LIDARS, dtype=jnp.int64)
    points = jax.random.normal(k2, (NUM_RAYS, 3), dtype=jnp.float32)
    # Learned/calibrated per-lidar extrinsics: lidar_to_world [num_lidars, 3, 4]
    lidar_to_worlds = jax.random.normal(k3, (NUM_LIDARS, 3, 4), dtype=jnp.float32) * 0.1
    return {"ray_indices": ray_indices, "points": points, "lidar_to_worlds": lidar_to_worlds}


def reference(ray_indices, points, lidar_to_worlds):
    # c = ray_indices[:, 0]; lidars.generate_rays(lidar_indices=c.unsqueeze(-1), points=points)
    c = ray_indices[:, 0]
    # Embedding-style gather of per-lidar pose by lidar index
    poses = jnp.take(lidar_to_worlds, c, axis=0)  # [num_rays, 3, 4]
    R = poses[..., :3]   # [num_rays, 3, 3]
    t = poses[..., 3]    # [num_rays, 3]  -> ray origins (lidar center in world)
    # Rotate lidar-frame points into world frame to get ray directions
    directions_world = jnp.einsum('nij,nj->ni', R, points)
    norms = jnp.linalg.norm(directions_world, axis=-1, keepdims=True)
    directions = directions_world / jnp.maximum(norms, 1e-8)
    origins = t
    # RayBundle packed as [origins | normalized directions]
    return jnp.concatenate([origins, directions], axis=-1)

if __name__ == "__main__":
    import jax
    _d = setup_inputs()
    print(jax.jit(kernel)(*tuple(_d.values())))

</pallas_src>

<mosaic_0001>
#map = affine_map<(d0, d1) -> (0)>
module attributes {stable_mosaic.version = 14 : i64} {
  func.func @_body(%arg0: i32, %arg1: i32, %arg2: memref<262144xi32, #tpu.memory_space<hbm>>, %arg3: memref<262144xf32, #tpu.memory_space<hbm>>, %arg4: memref<262144xf32, #tpu.memory_space<hbm>>, %arg5: memref<262144xf32, #tpu.memory_space<hbm>>, %arg6: memref<96xf32, #tpu.memory_space<hbm>>, %arg7: memref<262144xf32, #tpu.memory_space<hbm>>, %arg8: memref<262144xf32, #tpu.memory_space<hbm>>, %arg9: memref<262144xf32, #tpu.memory_space<hbm>>, %arg10: memref<262144xf32, #tpu.memory_space<hbm>>, %arg11: memref<262144xf32, #tpu.memory_space<hbm>>, %arg12: memref<262144xf32, #tpu.memory_space<hbm>>, %arg13: memref<8192xi32, #tpu.memory_space<vmem>>, %arg14: memref<8192xf32, #tpu.memory_space<vmem>>, %arg15: memref<8192xf32, #tpu.memory_space<vmem>>, %arg16: memref<8192xf32, #tpu.memory_space<vmem>>, %arg17: memref<8192xf32, #tpu.memory_space<vmem>>, %arg18: memref<8192xf32, #tpu.memory_space<vmem>>, %arg19: memref<8192xf32, #tpu.memory_space<vmem>>, %arg20: memref<8192xf32, #tpu.memory_space<vmem>>, %arg21: memref<8192xf32, #tpu.memory_space<vmem>>, %arg22: memref<8192xf32, #tpu.memory_space<vmem>>, %arg23: memref<96xf32, #tpu.memory_space<vmem>>, %arg24: memref<!tpu.dma_semaphore, #tpu.memory_space<semaphore_mem>>) attributes {dimension_semantics = [#tpu.dimension_semantics<core_parallel>, #tpu.dimension_semantics<subcore_parallel>], iteration_bounds = array<i64: 2, 16>, scalar_prefetch = 0 : i64, scratch_operands = 12 : i64, tpu.core_type = #tpu.core_type<sc_vector_subcore>, window_params = [{transform_indices = #map}, {transform_indices = #map}, {transform_indices = #map}, {transform_indices = #map}, {transform_indices = #map}, {transform_indices = #map}, {transform_indices = #map}, {transform_indices = #map}, {transform_indices = #map}, {transform_indices = #map}, {transform_indices = #map}]} {
    %mul3A = arith.constant 2 : i32
    %mul3A_0 = arith.muli %arg1, %mul3A : i32
    %add3A = arith.addi %mul3A_0, %arg0 : i32
    %mul3A_1 = arith.constant 8192 : i32
    %mul3A_2 = arith.muli %add3A, %mul3A_1 : i32
    %dma_start3A = tpu.memref_slice %arg2[%mul3A_2] : memref<262144xi32, #tpu.memory_space<hbm>> -> memref<8192xi32, #tpu.memory_space<hbm>>
    %dma_start3A_3 = tpu.memref_slice %arg2[%mul3A_2] : memref<262144xi32, #tpu.memory_space<hbm>> -> memref<8192xi32, #tpu.memory_space<hbm>>
    tpu.enqueue_dma source(%dma_start3A_3 : memref<8192xi32, #tpu.memory_space<hbm>>) target(%arg13 : memref<8192xi32, #tpu.memory_space<vmem>>) target_semaphore(%arg24 : memref<!tpu.dma_semaphore, #tpu.memory_space<semaphore_mem>>)
    %dma_start3A_4 = tpu.memref_slice %arg3[%mul3A_2] : memref<262144xf32, #tpu.memory_space<hbm>> -> memref<8192xf32, #tpu.memory_space<hbm>>
    %dma_start3A_5 = tpu.memref_slice %arg3[%mul3A_2] : memref<262144xf32, #tpu.memory_space<hbm>> -> memref<8192xf32, #tpu.memory_space<hbm>>
    tpu.enqueue_dma source(%dma_start3A_5 : memref<8192xf32, #tpu.memory_space<hbm>>) target(%arg14 : memref<8192xf32, #tpu.memory_space<vmem>>) target_semaphore(%arg24 : memref<!tpu.dma_semaphore, #tpu.memory_space<semaphore_mem>>)
    %dma_start3A_6 = tpu.memref_slice %arg4[%mul3A_2] : memref<262144xf32, #tpu.memory_space<hbm>> -> memref<8192xf32, #tpu.memory_space<hbm>>
    %dma_start3A_7 = tpu.memref_slice %arg4[%mul3A_2] : memref<262144xf32, #tpu.memory_space<hbm>> -> memref<8192xf32, #tpu.memory_space<hbm>>
    tpu.enqueue_dma source(%dma_start3A_7 : memref<8192xf32, #tpu.memory_space<hbm>>) target(%arg15 : memref<8192xf32, #tpu.memory_space<vmem>>) target_semaphore(%arg24 : memref<!tpu.dma_semaphore, #tpu.memory_space<semaphore_mem>>)
    %dma_start3A_8 = tpu.memref_slice %arg5[%mul3A_2] : memref<262144xf32, #tpu.memory_space<hbm>> -> memref<8192xf32, #tpu.memory_space<hbm>>
    %dma_start3A_9 = tpu.memref_slice %arg5[%mul3A_2] : memref<262144xf32, #tpu.memory_space<hbm>> -> memref<8192xf32, #tpu.memory_space<hbm>>
    tpu.enqueue_dma source(%dma_start3A_9 : memref<8192xf32, #tpu.memory_space<hbm>>) target(%arg16 : memref<8192xf32, #tpu.memory_space<vmem>>) target_semaphore(%arg24 : memref<!tpu.dma_semaphore, #tpu.memory_space<semaphore_mem>>)
    "tpu.region"() ({
      %run_scoped3A = tpu.sem_alloc : memref<!tpu.dma_semaphore, #tpu.memory_space<semaphore_mem>>
      tpu.enqueue_dma source(%arg6 : memref<96xf32, #tpu.memory_space<hbm>>) target(%arg23 : memref<96xf32, #tpu.memory_space<vmem>>) target_semaphore(%run_scoped3A : memref<!tpu.dma_semaphore, #tpu.memory_space<semaphore_mem>>)
      tpu.wait_dma2 semaphore(%run_scoped3A : memref<!tpu.dma_semaphore, #tpu.memory_space<semaphore_mem>>) src(%arg6 : memref<96xf32, #tpu.memory_space<hbm>>) dst(%arg23 : memref<96xf32, #tpu.memory_space<vmem>>)
      tpu.yield
    }) : () -> ()
    %iota3A = tpu.iota {dimensions = array<i32: 0>} : vector<16xi32>
    %and3A = arith.constant 7 : i32
    %and3A_10 = vector.broadcast %and3A : i32 to vector<16xi32>
    %and3A_11 = arith.andi %iota3A, %and3A_10 : vector<16xi32>
    %mul3A_12 = arith.constant 12 : i32
    %mul3A_13 = vector.broadcast %mul3A_12 : i32 to vector<16xi32>
    %mul3A_14 = arith.muli %and3A_11, %mul3A_13 : vector<16xi32>
    %add3A_15 = arith.constant 0 : i32
    %add3A_16 = vector.broadcast %add3A_15 : i32 to vector<16xi32>
    %add3A_17 = arith.addi %mul3A_14, %add3A_16 : vector<16xi32>
    %gather3A = tpu.vector_load_idx %arg23[%add3A_17] : memref<96xf32, #tpu.memory_space<vmem>>[vector<16xi32>], vector<16xf32>,
    %add3A_18 = arith.constant 1 : i32
    %add3A_19 = vector.broadcast %add3A_18 : i32 to vector<16xi32>
    %add3A_20 = arith.addi %mul3A_14, %add3A_19 : vector<16xi32>
    %gather3A_21 = tpu.vector_load_idx %arg23[%add3A_20] : memref<96xf32, #tpu.memory_space<vmem>>[vector<16xi32>], vector<16xf32>,
    %add3A_22 = arith.constant 2 : i32
    %add3A_23 = vector.broadcast %add3A_22 : i32 to vector<16xi32>
    %add3A_24 = arith.addi %mul3A_14, %add3A_23 : vector<16xi32>
    %gather3A_25 = tpu.vector_load_idx %arg23[%add3A_24] : memref<96xf32, #tpu.memory_space<vmem>>[vector<16xi32>], vector<16xf32>,
    %add3A_26 = arith.constant 3 : i32
    %add3A_27 = vector.broadcast %add3A_26 : i32 to vector<16xi32>
    %add3A_28 = arith.addi %mul3A_14, %add3A_27 : vector<16xi32>
    %gather3A_29 = tpu.vector_load_idx %arg23[%add3A_28] : memref<96xf32, #tpu.memory_space<vmem>>[vector<16xi32>], vector<16xf32>,
    %add3A_30 = arith.constant 4 : i32
    %add3A_31 = vector.broadcast %add3A_30 : i32 to vector<16xi32>
    %add3A_32 = arith.addi %mul3A_14, %add3A_31 : vector<16xi32>
    %gather3A_33 = tpu.vector_load_idx %arg23[%add3A_32] : memref<96xf32, #tpu.memory_space<vmem>>[vector<16xi32>], vector<16xf32>,
    %add3A_34 = arith.constant 5 : i32
    %add3A_35 = vector.broadcast %add3A_34 : i32 to vector<16xi32>
    %add3A_36 = arith.addi %mul3A_14, %add3A_35 : vector<16xi32>
    %gather3A_37 = tpu.vector_load_idx %arg23[%add3A_36] : memref<96xf32, #tpu.memory_space<vmem>>[vector<16xi32>], vector<16xf32>,
    %add3A_38 = arith.constant 6 : i32
    %add3A_39 = vector.broadcast %add3A_38 : i32 to vector<16xi32>
    %add3A_40 = arith.addi %mul3A_14, %add3A_39 : vector<16xi32>
    %gather3A_41 = tpu.vector_load_idx %arg23[%add3A_40] : memref<96xf32, #tpu.memory_space<vmem>>[vector<16xi32>], vector<16xf32>,
    %add3A_42 = arith.constant 7 : i32
    %add3A_43 = vector.broadcast %add3A_42 : i32 to vector<16xi32>
    %add3A_44 = arith.addi %mul3A_14, %add3A_43 : vector<16xi32>
    %gather3A_45 = tpu.vector_load_idx %arg23[%add3A_44] : memref<96xf32, #tpu.memory_space<vmem>>[vector<16xi32>], vector<16xf32>,
    %add3A_46 = arith.constant 8 : i32
    %add3A_47 = vector.broadcast %add3A_46 : i32 to vector<16xi32>
    %add3A_48 = arith.addi %mul3A_14, %add3A_47 : vector<16xi32>
    %gather3A_49 = tpu.vector_load_idx %arg23[%add3A_48] : memref<96xf32, #tpu.memory_space<vmem>>[vector<16xi32>], vector<16xf32>,
    %add3A_50 = arith.constant 9 : i32
    %add3A_51 = vector.broadcast %add3A_50 : i32 to vector<16xi32>
    %add3A_52 = arith.addi %mul3A_14, %add3A_51 : vector<16xi32>
    %gather3A_53 = tpu.vector_load_idx %arg23[%add3A_52] : memref<96xf32, #tpu.memory_space<vmem>>[vector<16xi32>], vector<16xf32>,
    %add3A_54 = arith.constant 10 : i32
    %add3A_55 = vector.broadcast %add3A_54 : i32 to vector<16xi32>
    %add3A_56 = arith.addi %mul3A_14, %add3A_55 : vector<16xi32>
    %gather3A_57 = tpu.vector_load_idx %arg23[%add3A_56] : memref<96xf32, #tpu.memory_space<vmem>>[vector<16xi32>], vector<16xf32>,
    %add3A_58 = arith.constant 11 : i32
    %add3A_59 = vector.broadcast %add3A_58 : i32 to vector<16xi32>
    %add3A_60 = arith.addi %mul3A_14, %add3A_59 : vector<16xi32>
    %gather3A_61 = tpu.vector_load_idx %arg23[%add3A_60] : memref<96xf32, #tpu.memory_space<vmem>>[vector<16xi32>], vector<16xf32>,
    %dma_wait3A = tpu.memref_slice %arg2[%mul3A_2] : memref<262144xi32, #tpu.memory_space<hbm>> -> memref<8192xi32, #tpu.memory_space<hbm>>
    %dma_wait3A_62 = tpu.memref_slice %arg2[%mul3A_2] : memref<262144xi32, #tpu.memory_space<hbm>> -> memref<8192xi32, #tpu.memory_space<hbm>>
    tpu.wait_dma2 semaphore(%arg24 : memref<!tpu.dma_semaphore, #tpu.memory_space<semaphore_mem>>) src(%dma_wait3A_62 : memref<8192xi32, #tpu.memory_space<hbm>>) dst(%arg13 : memref<8192xi32, #tpu.memory_space<vmem>>)
    %dma_wait3A_63 = tpu.memref_slice %arg3[%mul3A_2] : memref<262144xf32, #tpu.memory_space<hbm>> -> memref<8192xf32, #tpu.memory_space<hbm>>
    %dma_wait3A_64 = tpu.memref_slice %arg3[%mul3A_2] : memref<262144xf32, #tpu.memory_space<hbm>> -> memref<8192xf32, #tpu.memory_space<hbm>>
    tpu.wait_dma2 semaphore(%arg24 : memref<!tpu.dma_semaphore, #tpu.memory_space<semaphore_mem>>) src(%dma_wait3A_64 : memref<8192xf32, #tpu.memory_space<hbm>>) dst(%arg14 : memref<8192xf32, #tpu.memory_space<vmem>>)
    %dma_wait3A_65 = tpu.memref_slice %arg4[%mul3A_2] : memref<262144xf32, #tpu.memory_space<hbm>> -> memref<8192xf32, #tpu.memory_space<hbm>>
    %dma_wait3A_66 = tpu.memref_slice %arg4[%mul3A_2] : memref<262144xf32, #tpu.memory_space<hbm>> -> memref<8192xf32, #tpu.memory_space<hbm>>
    tpu.wait_dma2 semaphore(%arg24 : memref<!tpu.dma_semaphore, #tpu.memory_space<semaphore_mem>>) src(%dma_wait3A_66 : memref<8192xf32, #tpu.memory_space<hbm>>) dst(%arg15 : memref<8192xf32, #tpu.memory_space<vmem>>)
    %dma_wait3A_67 = tpu.memref_slice %arg5[%mul3A_2] : memref<262144xf32, #tpu.memory_space<hbm>> -> memref<8192xf32, #tpu.memory_space<hbm>>
    %dma_wait3A_68 = tpu.memref_slice %arg5[%mul3A_2] : memref<262144xf32, #tpu.memory_space<hbm>> -> memref<8192xf32, #tpu.memory_space<hbm>>
    tpu.wait_dma2 semaphore(%arg24 : memref<!tpu.dma_semaphore, #tpu.memory_space<semaphore_mem>>) src(%dma_wait3A_68 : memref<8192xf32, #tpu.memory_space<hbm>>) dst(%arg16 : memref<8192xf32, #tpu.memory_space<vmem>>)
    %parallel_loop3A = arith.constant 0 : i32
    %parallel_loop3A_69 = arith.constant 8192 : i32
    %parallel_loop3A_70 = arith.constant 16 : i32
    scf.for %parallel_loop3A_95 = %parallel_loop3A to %parallel_loop3A_69 step %parallel_loop3A_70  : i32 {
      %parallel_loop3A_96 = arith.index_cast %parallel_loop3A_95 : i32 to index
      %parallel_loop3A_97 = tpu.vector_load %arg13[%parallel_loop3A_96] {strides = array<i32>} : memref<8192xi32, #tpu.memory_space<vmem>>, vector<16xi32>,
      %parallel_loop3A_98 = arith.index_cast %parallel_loop3A_95 : i32 to index
      %parallel_loop3A_99 = tpu.vector_load %arg14[%parallel_loop3A_98] {strides = array<i32>} : memref<8192xf32, #tpu.memory_space<vmem>>, vector<16xf32>,
      %parallel_loop3A_100 = arith.index_cast %parallel_loop3A_95 : i32 to index
      %parallel_loop3A_101 = tpu.vector_load %arg15[%parallel_loop3A_100] {strides = array<i32>} : memref<8192xf32, #tpu.memory_space<vmem>>, vector<16xf32>,
      %parallel_loop3A_102 = arith.index_cast %parallel_loop3A_95 : i32 to index
      %parallel_loop3A_103 = tpu.vector_load %arg16[%parallel_loop3A_102] {strides = array<i32>} : memref<8192xf32, #tpu.memory_space<vmem>>, vector<16xf32>,
      %parallel_loop3A_104 = vector.shape_cast %parallel_loop3A_97 : vector<16xi32> to vector<16x1xi32>
      %parallel_loop3A_105 = vector.shape_cast %parallel_loop3A_104 : vector<16x1xi32> to vector<16xi32>
      %parallel_loop3A_106 = tpu.dynamic_gather %gather3A[%parallel_loop3A_105] in [0] : vector<16xf32>, vector<16xi32> -> vector<16xf32>
      %parallel_loop3A_107 = arith.mulf %parallel_loop3A_106, %parallel_loop3A_99 : vector<16xf32>
      %parallel_loop3A_108 = vector.shape_cast %parallel_loop3A_97 : vector<16xi32> to vector<16x1xi32>
      %parallel_loop3A_109 = vector.shape_cast %parallel_loop3A_108 : vector<16x1xi32> to vector<16xi32>
      %parallel_loop3A_110 = tpu.dynamic_gather %gather3A_21[%parallel_loop3A_109] in [0] : vector<16xf32>, vector<16xi32> -> vector<16xf32>
      %parallel_loop3A_111 = arith.mulf %parallel_loop3A_110, %parallel_loop3A_101 : vector<16xf32>
      %parallel_loop3A_112 = arith.addf %parallel_loop3A_107, %parallel_loop3A_111 : vector<16xf32>
      %parallel_loop3A_113 = vector.shape_cast %parallel_loop3A_97 : vector<16xi32> to vector<16x1xi32>
      %parallel_loop3A_114 = vector.shape_cast %parallel_loop3A_113 : vector<16x1xi32> to vector<16xi32>
      %parallel_loop3A_115 = tpu.dynamic_gather %gather3A_25[%parallel_loop3A_114] in [0] : vector<16xf32>, vector<16xi32> -> vector<16xf32>
      %parallel_loop3A_116 = arith.mulf %parallel_loop3A_115, %parallel_loop3A_103 : vector<16xf32>
      %parallel_loop3A_117 = arith.addf %parallel_loop3A_112, %parallel_loop3A_116 : vector<16xf32>
      %parallel_loop3A_118 = vector.shape_cast %parallel_loop3A_97 : vector<16xi32> to vector<16x1xi32>
      %parallel_loop3A_119 = vector.shape_cast %parallel_loop3A_118 : vector<16x1xi32> to vector<16xi32>
      %parallel_loop3A_120 = tpu.dynamic_gather %gather3A_33[%parallel_loop3A_119] in [0] : vector<16xf32>, vector<16xi32> -> vector<16xf32>
      %parallel_loop3A_121 = arith.mulf %parallel_loop3A_120, %parallel_loop3A_99 : vector<16xf32>
      %parallel_loop3A_122 = vector.shape_cast %parallel_loop3A_97 : vector<16xi32> to vector<16x1xi32>
      %parallel_loop3A_123 = vector.shape_cast %parallel_loop3A_122 : vector<16x1xi32> to vector<16xi32>
      %parallel_loop3A_124 = tpu.dynamic_gather %gather3A_37[%parallel_loop3A_123] in [0] : vector<16xf32>, vector<16xi32> -> vector<16xf32>
      %parallel_loop3A_125 = arith.mulf %parallel_loop3A_124, %parallel_loop3A_101 : vector<16xf32>
      %parallel_loop3A_126 = arith.addf %parallel_loop3A_121, %parallel_loop3A_125 : vector<16xf32>
      %parallel_loop3A_127 = vector.shape_cast %parallel_loop3A_97 : vector<16xi32> to vector<16x1xi32>
      %parallel_loop3A_128 = vector.shape_cast %parallel_loop3A_127 : vector<16x1xi32> to vector<16xi32>
      %parallel_loop3A_129 = tpu.dynamic_gather %gather3A_41[%parallel_loop3A_128] in [0] : vector<16xf32>, vector<16xi32> -> vector<16xf32>
      %parallel_loop3A_130 = arith.mulf %parallel_loop3A_129, %parallel_loop3A_103 : vector<16xf32>
      %parallel_loop3A_131 = arith.addf %parallel_loop3A_126, %parallel_loop3A_130 : vector<16xf32>
      %parallel_loop3A_132 = vector.shape_cast %parallel_loop3A_97 : vector<16xi32> to vector<16x1xi32>
      %parallel_loop3A_133 = vector.shape_cast %parallel_loop3A_132 : vector<16x1xi32> to vector<16xi32>
      %parallel_loop3A_134 = tpu.dynamic_gather %gather3A_49[%parallel_loop3A_133] in [0] : vector<16xf32>, vector<16xi32> -> vector<16xf32>
      %parallel_loop3A_135 = arith.mulf %parallel_loop3A_134, %parallel_loop3A_99 : vector<16xf32>
      %parallel_loop3A_136 = vector.shape_cast %parallel_loop3A_97 : vector<16xi32> to vector<16x1xi32>
      %parallel_loop3A_137 = vector.shape_cast %parallel_loop3A_136 : vector<16x1xi32> to vector<16xi32>
      %parallel_loop3A_138 = tpu.dynamic_gather %gather3A_53[%parallel_loop3A_137] in [0] : vector<16xf32>, vector<16xi32> -> vector<16xf32>
      %parallel_loop3A_139 = arith.mulf %parallel_loop3A_138, %parallel_loop3A_101 : vector<16xf32>
      %parallel_loop3A_140 = arith.addf %parallel_loop3A_135, %parallel_loop3A_139 : vector<16xf32>
      %parallel_loop3A_141 = vector.shape_cast %parallel_loop3A_97 : vector<16xi32> to vector<16x1xi32>
      %parallel_loop3A_142 = vector.shape_cast %parallel_loop3A_141 : vector<16x1xi32> to vector<16xi32>
      %parallel_loop3A_143 = tpu.dynamic_gather %gather3A_57[%parallel_loop3A_142] in [0] : vector<16xf32>, vector<16xi32> -> vector<16xf32>
      %parallel_loop3A_144 = arith.mulf %parallel_loop3A_143, %parallel_loop3A_103 : vector<16xf32>
      %parallel_loop3A_145 = arith.addf %parallel_loop3A_140, %parallel_loop3A_144 : vector<16xf32>
      %parallel_loop3A_146 = arith.mulf %parallel_loop3A_117, %parallel_loop3A_117 : vector<16xf32>
      %parallel_loop3A_147 = arith.mulf %parallel_loop3A_131, %parallel_loop3A_131 : vector<16xf32>
      %parallel_loop3A_148 = arith.addf %parallel_loop3A_146, %parallel_loop3A_147 : vector<16xf32>
      %parallel_loop3A_149 = arith.mulf %parallel_loop3A_145, %parallel_loop3A_145 : vector<16xf32>
      %parallel_loop3A_150 = arith.addf %parallel_loop3A_148, %parallel_loop3A_149 : vector<16xf32>
      %parallel_loop3A_151 = arith.constant 1.000000e-16 : f32
      %parallel_loop3A_152 = vector.broadcast %parallel_loop3A_151 : f32 to vector<16xf32>
      %parallel_loop3A_153 = arith.maximumf %parallel_loop3A_150, %parallel_loop3A_152 : vector<16xf32>
      %parallel_loop3A_154 = vector.bitcast %parallel_loop3A_153 : vector<16xf32> to vector<16xi32>
      %parallel_loop3A_155 = arith.constant 1 : i32
      %parallel_loop3A_156 = vector.broadcast %parallel_loop3A_155 : i32 to vector<16xi32>
      %parallel_loop3A_157 = arith.shrui %parallel_loop3A_154, %parallel_loop3A_156 : vector<16xi32>
      %parallel_loop3A_158 = arith.constant 1597463007 : i32
      %parallel_loop3A_159 = vector.broadcast %parallel_loop3A_158 : i32 to vector<16xi32>
      %parallel_loop3A_160 = arith.subi %parallel_loop3A_159, %parallel_loop3A_157 : vector<16xi32>
      %parallel_loop3A_161 = vector.bitcast %parallel_loop3A_160 : vector<16xi32> to vector<16xf32>
      %parallel_loop3A_162 = arith.constant 5.000000e-01 : f32
      %parallel_loop3A_163 = vector.broadcast %parallel_loop3A_162 : f32 to vector<16xf32>
      %parallel_loop3A_164 = arith.mulf %parallel_loop3A_163, %parallel_loop3A_153 : vector<16xf32>
      %parallel_loop3A_165 = arith.mulf %parallel_loop3A_164, %parallel_loop3A_161 : vector<16xf32>
      %parallel_loop3A_166 = arith.mulf %parallel_loop3A_165, %parallel_loop3A_161 : vector<16xf32>
      %parallel_loop3A_167 = arith.constant 1.500000e+00 : f32
      %parallel_loop3A_168 = vector.broadcast %parallel_loop3A_167 : f32 to vector<16xf32>
      %parallel_loop3A_169 = arith.subf %parallel_loop3A_168, %parallel_loop3A_166 : vector<16xf32>
      %parallel_loop3A_170 = arith.mulf %parallel_loop3A_161, %parallel_loop3A_169 : vector<16xf32>
      %parallel_loop3A_171 = arith.mulf %parallel_loop3A_164, %parallel_loop3A_170 : vector<16xf32>
      %parallel_loop3A_172 = arith.mulf %parallel_loop3A_171, %parallel_loop3A_170 : vector<16xf32>
      %parallel_loop3A_173 = arith.constant 1.500000e+00 : f32
      %parallel_loop3A_174 = vector.broadcast %parallel_loop3A_173 : f32 to vector<16xf32>
      %parallel_loop3A_175 = arith.subf %parallel_loop3A_174, %parallel_loop3A_172 : vector<16xf32>
      %parallel_loop3A_176 = arith.mulf %parallel_loop3A_170, %parallel_loop3A_175 : vector<16xf32>
      %parallel_loop3A_177 = arith.mulf %parallel_loop3A_164, %parallel_loop3A_176 : vector<16xf32>
      %parallel_loop3A_178 = arith.mulf %parallel_loop3A_177, %parallel_loop3A_176 : vector<16xf32>
      %parallel_loop3A_179 = arith.constant 1.500000e+00 : f32
      %parallel_loop3A_180 = vector.broadcast %parallel_loop3A_179 : f32 to vector<16xf32>
      %parallel_loop3A_181 = arith.subf %parallel_loop3A_180, %parallel_loop3A_178 : vector<16xf32>
      %parallel_loop3A_182 = arith.mulf %parallel_loop3A_176, %parallel_loop3A_181 : vector<16xf32>
      %parallel_loop3A_183 = vector.shape_cast %parallel_loop3A_97 : vector<16xi32> to vector<16x1xi32>
      %parallel_loop3A_184 = vector.shape_cast %parallel_loop3A_183 : vector<16x1xi32> to vector<16xi32>
      %parallel_loop3A_185 = tpu.dynamic_gather %gather3A_29[%parallel_loop3A_184] in [0] : vector<16xf32>, vector<16xi32> -> vector<16xf32>
      %parallel_loop3A_186 = arith.index_cast %parallel_loop3A_95 : i32 to index
      %parallel_loop3A_187 = tpu.vector_load %arg17[%parallel_loop3A_186] {strides = array<i32>} : memref<8192xf32, #tpu.memory_space<vmem>>, vector<16xf32>,
      tpu.vector_store %arg17[%parallel_loop3A_186], %parallel_loop3A_185 {strides = array<i32>} : memref<8192xf32, #tpu.memory_space<vmem>>, vector<16xf32>,
      %parallel_loop3A_188 = vector.shape_cast %parallel_loop3A_97 : vector<16xi32> to vector<16x1xi32>
      %parallel_loop3A_189 = vector.shape_cast %parallel_loop3A_188 : vector<16x1xi32> to vector<16xi32>
      %parallel_loop3A_190 = tpu.dynamic_gather %gather3A_45[%parallel_loop3A_189] in [0] : vector<16xf32>, vector<16xi32> -> vector<16xf32>
      %parallel_loop3A_191 = arith.index_cast %parallel_loop3A_95 : i32 to index
      %parallel_loop3A_192 = tpu.vector_load %arg18[%parallel_loop3A_191] {strides = array<i32>} : memref<8192xf32, #tpu.memory_space<vmem>>, vector<16xf32>,
      tpu.vector_store %arg18[%parallel_loop3A_191], %parallel_loop3A_190 {strides = array<i32>} : memref<8192xf32, #tpu.memory_space<vmem>>, vector<16xf32>,
      %parallel_loop3A_193 = vector.shape_cast %parallel_loop3A_97 : vector<16xi32> to vector<16x1xi32>
      %parallel_loop3A_194 = vector.shape_cast %parallel_loop3A_193 : vector<16x1xi32> to vector<16xi32>
      %parallel_loop3A_195 = tpu.dynamic_gather %gather3A_61[%parallel_loop3A_194] in [0] : vector<16xf32>, vector<16xi32> -> vector<16xf32>
      %parallel_loop3A_196 = arith.index_cast %parallel_loop3A_95 : i32 to index
      %parallel_loop3A_197 = tpu.vector_load %arg19[%parallel_loop3A_196] {strides = array<i32>} : memref<8192xf32, #tpu.memory_space<vmem>>, vector<16xf32>,
      tpu.vector_store %arg19[%parallel_loop3A_196], %parallel_loop3A_195 {strides = array<i32>} : memref<8192xf32, #tpu.memory_space<vmem>>, vector<16xf32>,
      %parallel_loop3A_198 = arith.mulf %parallel_loop3A_117, %parallel_loop3A_182 : vector<16xf32>
      %parallel_loop3A_199 = arith.index_cast %parallel_loop3A_95 : i32 to index
      %parallel_loop3A_200 = tpu.vector_load %arg20[%parallel_loop3A_199] {strides = array<i32>} : memref<8192xf32, #tpu.memory_space<vmem>>, vector<16xf32>,
      tpu.vector_store %arg20[%parallel_loop3A_199], %parallel_loop3A_198 {strides = array<i32>} : memref<8192xf32, #tpu.memory_space<vmem>>, vector<16xf32>,
      %parallel_loop3A_201 = arith.mulf %parallel_loop3A_131, %parallel_loop3A_182 : vector<16xf32>
      %parallel_loop3A_202 = arith.index_cast %parallel_loop3A_95 : i32 to index
      %parallel_loop3A_203 = tpu.vector_load %arg21[%parallel_loop3A_202] {strides = array<i32>} : memref<8192xf32, #tpu.memory_space<vmem>>, vector<16xf32>,
      tpu.vector_store %arg21[%parallel_loop3A_202], %parallel_loop3A_201 {strides = array<i32>} : memref<8192xf32, #tpu.memory_space<vmem>>, vector<16xf32>,
      %parallel_loop3A_204 = arith.mulf %parallel_loop3A_145, %parallel_loop3A_182 : vector<16xf32>
      %parallel_loop3A_205 = arith.index_cast %parallel_loop3A_95 : i32 to index
      %parallel_loop3A_206 = tpu.vector_load %arg22[%parallel_loop3A_205] {strides = array<i32>} : memref<8192xf32, #tpu.memory_space<vmem>>, vector<16xf32>,
      tpu.vector_store %arg22[%parallel_loop3A_205], %parallel_loop3A_204 {strides = array<i32>} : memref<8192xf32, #tpu.memory_space<vmem>>, vector<16xf32>,
    } {sc.loop_unroll_factor = 4 : i64, sc.parallel_access}
    %dma_start3A_71 = tpu.memref_slice %arg7[%mul3A_2] : memref<262144xf32, #tpu.memory_space<hbm>> -> memref<8192xf32, #tpu.memory_space<hbm>>
    %dma_start3A_72 = tpu.memref_slice %arg7[%mul3A_2] : memref<262144xf32, #tpu.memory_space<hbm>> -> memref<8192xf32, #tpu.memory_space<hbm>>
    tpu.enqueue_dma source(%arg17 : memref<8192xf32, #tpu.memory_space<vmem>>) target(%dma_start3A_72 : memref<8192xf32, #tpu.memory_space<hbm>>) target_semaphore(%arg24 : memref<!tpu.dma_semaphore, #tpu.memory_space<semaphore_mem>>)
    %dma_start3A_73 = tpu.memref_slice %arg8[%mul3A_2] : memref<262144xf32, #tpu.memory_space<hbm>> -> memref<8192xf32, #tpu.memory_space<hbm>>
    %dma_start3A_74 = tpu.memref_slice %arg8[%mul3A_2] : memref<262144xf32, #tpu.memory_space<hbm>> -> memref<8192xf32, #tpu.memory_space<hbm>>
    tpu.enqueue_dma source(%arg18 : memref<8192xf32, #tpu.memory_space<vmem>>) target(%dma_start3A_74 : memref<8192xf32, #tpu.memory_space<hbm>>) target_semaphore(%arg24 : memref<!tpu.dma_semaphore, #tpu.memory_space<semaphore_mem>>)
    %dma_start3A_75 = tpu.memref_slice %arg9[%mul3A_2] : memref<262144xf32, #tpu.memory_space<hbm>> -> memref<8192xf32, #tpu.memory_space<hbm>>
    %dma_start3A_76 = tpu.memref_slice %arg9[%mul3A_2] : memref<262144xf32, #tpu.memory_space<hbm>> -> memref<8192xf32, #tpu.memory_space<hbm>>
    tpu.enqueue_dma source(%arg19 : memref<8192xf32, #tpu.memory_space<vmem>>) target(%dma_start3A_76 : memref<8192xf32, #tpu.memory_space<hbm>>) target_semaphore(%arg24 : memref<!tpu.dma_semaphore, #tpu.memory_space<semaphore_mem>>)
    %dma_start3A_77 = tpu.memref_slice %arg10[%mul3A_2] : memref<262144xf32, #tpu.memory_space<hbm>> -> memref<8192xf32, #tpu.memory_space<hbm>>
    %dma_start3A_78 = tpu.memref_slice %arg10[%mul3A_2] : memref<262144xf32, #tpu.memory_space<hbm>> -> memref<8192xf32, #tpu.memory_space<hbm>>
    tpu.enqueue_dma source(%arg20 : memref<8192xf32, #tpu.memory_space<vmem>>) target(%dma_start3A_78 : memref<8192xf32, #tpu.memory_space<hbm>>) target_semaphore(%arg24 : memref<!tpu.dma_semaphore, #tpu.memory_space<semaphore_mem>>)
    %dma_start3A_79 = tpu.memref_slice %arg11[%mul3A_2] : memref<262144xf32, #tpu.memory_space<hbm>> -> memref<8192xf32, #tpu.memory_space<hbm>>
    %dma_start3A_80 = tpu.memref_slice %arg11[%mul3A_2] : memref<262144xf32, #tpu.memory_space<hbm>> -> memref<8192xf32, #tpu.memory_space<hbm>>
    tpu.enqueue_dma source(%arg21 : memref<8192xf32, #tpu.memory_space<vmem>>) target(%dma_start3A_80 : memref<8192xf32, #tpu.memory_space<hbm>>) target_semaphore(%arg24 : memref<!tpu.dma_semaphore, #tpu.memory_space<semaphore_mem>>)
    %dma_start3A_81 = tpu.memref_slice %arg12[%mul3A_2] : memref<262144xf32, #tpu.memory_space<hbm>> -> memref<8192xf32, #tpu.memory_space<hbm>>
    %dma_start3A_82 = tpu.memref_slice %arg12[%mul3A_2] : memref<262144xf32, #tpu.memory_space<hbm>> -> memref<8192xf32, #tpu.memory_space<hbm>>
    tpu.enqueue_dma source(%arg22 : memref<8192xf32, #tpu.memory_space<vmem>>) target(%dma_start3A_82 : memref<8192xf32, #tpu.memory_space<hbm>>) target_semaphore(%arg24 : memref<!tpu.dma_semaphore, #tpu.memory_space<semaphore_mem>>)
    %dma_wait3A_83 = tpu.memref_slice %arg7[%mul3A_2] : memref<262144xf32, #tpu.memory_space<hbm>> -> memref<8192xf32, #tpu.memory_space<hbm>>
    %dma_wait3A_84 = tpu.memref_slice %arg7[%mul3A_2] : memref<262144xf32, #tpu.memory_space<hbm>> -> memref<8192xf32, #tpu.memory_space<hbm>>
    tpu.wait_dma2 semaphore(%arg24 : memref<!tpu.dma_semaphore, #tpu.memory_space<semaphore_mem>>) src(%arg17 : memref<8192xf32, #tpu.memory_space<vmem>>) dst(%dma_wait3A_84 : memref<8192xf32, #tpu.memory_space<hbm>>)
    %dma_wait3A_85 = tpu.memref_slice %arg8[%mul3A_2] : memref<262144xf32, #tpu.memory_space<hbm>> -> memref<8192xf32, #tpu.memory_space<hbm>>
    %dma_wait3A_86 = tpu.memref_slice %arg8[%mul3A_2] : memref<262144xf32, #tpu.memory_space<hbm>> -> memref<8192xf32, #tpu.memory_space<hbm>>
    tpu.wait_dma2 semaphore(%arg24 : memref<!tpu.dma_semaphore, #tpu.memory_space<semaphore_mem>>) src(%arg18 : memref<8192xf32, #tpu.memory_space<vmem>>) dst(%dma_wait3A_86 : memref<8192xf32, #tpu.memory_space<hbm>>)
    %dma_wait3A_87 = tpu.memref_slice %arg9[%mul3A_2] : memref<262144xf32, #tpu.memory_space<hbm>> -> memref<8192xf32, #tpu.memory_space<hbm>>
    %dma_wait3A_88 = tpu.memref_slice %arg9[%mul3A_2] : memref<262144xf32, #tpu.memory_space<hbm>> -> memref<8192xf32, #tpu.memory_space<hbm>>
    tpu.wait_dma2 semaphore(%arg24 : memref<!tpu.dma_semaphore, #tpu.memory_space<semaphore_mem>>) src(%arg19 : memref<8192xf32, #tpu.memory_space<vmem>>) dst(%dma_wait3A_88 : memref<8192xf32, #tpu.memory_space<hbm>>)
    %dma_wait3A_89 = tpu.memref_slice %arg10[%mul3A_2] : memref<262144xf32, #tpu.memory_space<hbm>> -> memref<8192xf32, #tpu.memory_space<hbm>>
    %dma_wait3A_90 = tpu.memref_slice %arg10[%mul3A_2] : memref<262144xf32, #tpu.memory_space<hbm>> -> memref<8192xf32, #tpu.memory_space<hbm>>
    tpu.wait_dma2 semaphore(%arg24 : memref<!tpu.dma_semaphore, #tpu.memory_space<semaphore_mem>>) src(%arg20 : memref<8192xf32, #tpu.memory_space<vmem>>) dst(%dma_wait3A_90 : memref<8192xf32, #tpu.memory_space<hbm>>)
    %dma_wait3A_91 = tpu.memref_slice %arg11[%mul3A_2] : memref<262144xf32, #tpu.memory_space<hbm>> -> memref<8192xf32, #tpu.memory_space<hbm>>
    %dma_wait3A_92 = tpu.memref_slice %arg11[%mul3A_2] : memref<262144xf32, #tpu.memory_space<hbm>> -> memref<8192xf32, #tpu.memory_space<hbm>>
    tpu.wait_dma2 semaphore(%arg24 : memref<!tpu.dma_semaphore, #tpu.memory_space<semaphore_mem>>) src(%arg21 : memref<8192xf32, #tpu.memory_space<vmem>>) dst(%dma_wait3A_92 : memref<8192xf32, #tpu.memory_space<hbm>>)
    %dma_wait3A_93 = tpu.memref_slice %arg12[%mul3A_2] : memref<262144xf32, #tpu.memory_space<hbm>> -> memref<8192xf32, #tpu.memory_space<hbm>>
    %dma_wait3A_94 = tpu.memref_slice %arg12[%mul3A_2] : memref<262144xf32, #tpu.memory_space<hbm>> -> memref<8192xf32, #tpu.memory_space<hbm>>
    tpu.wait_dma2 semaphore(%arg24 : memref<!tpu.dma_semaphore, #tpu.memory_space<semaphore_mem>>) src(%arg22 : memref<8192xf32, #tpu.memory_space<vmem>>) dst(%dma_wait3A_94 : memref<8192xf32, #tpu.memory_space<hbm>>)
    return
  }
}

</mosaic_0001>

<sc_bundles>
// kernel: _run.3.cloned.1.call-start
scs
__scs_entry_jumppad:
0x0: {  	(pc) =	sbr.rel $0x88, $3  }
0x1: {  	(tag) =	ssettag $0x0;
	lr =	simm.s32 $0x1  }
0x2: {  	[smem:$0x3F9C] =	sst lr;
	_ =	strace $0xD0000000  }
0x3: {  	_ = 	snop  }
0x4: {  	_ = 	snop  }
0x5: {  	_ = 	snop  }
0x6: {  	_ = 	snop  }
0x7: {  	_ = 	snop  }
__scs_overlays_trampoline_lowered:
0x8: {  	[smem:$0x3FAB] =	sst s0  }
0x9: {  	[smem:$0x3FAC] =	sst s1  }
0xa: {  	[smem:$0x3FAD] =	sst s2  }
0xb: {  	[smem:$0x3FAE] =	sst s3  }
0xc: {  	[smem:$0x3FAF] =	sst s4  }
0xd: {  	[smem:$0x3FB0] =	sst s5  }
0xe: {  	[smem:$0x3FB1] =	sst s6  }
0xf: {  	[smem:$0x3FB2] =	sst s7  }
0x10: {  	[smem:$0x3FB3] =	sst s8  }
0x11: {  	[smem:$0x3FB4] =	sst s9;
	s0 =	simm.s32 @!p0 $0x0  }
0x12: {  	s1 =	sld [smem:$0x3F9A];
	s0 =	simm.s32 @p0 $0x1  }
0x13: {  	[smem:$0x3FB5] =	sst s0;
	s0 =	simm.s32 @!p1 $0x0  }
0x14: {  	s2 =	sld [smem:$0x3F99];
	s0 =	simm.s32 @p1 $0x1  }
0x15: {  	[smem:$0x3FB6] =	sst s0;
	s0 =	simm.s32 @!p2 $0x0  }
0x16: {  	s3 =	sld [smem:$0x3FDB];
	s0 =	simm.s32 @p2 $0x1  }
0x17: {  	s4 =	simm.s32 $0x1BF5;
	[smem:$0x3FB8] =	sst s0  }
0x18: {  	s0 =	sld [smem:$0x3F9B];
	_ =	swait.ge [sflag:s4], $0x0  }
0x19: {  	s7 =	sld [smem:$0x3F9C]  }
0x1a: {  	s8 =	sadd.s32 $0xFFFFE003, lr  }
0x1b: {  	s9 =	sadd.s32 $0xFFFFFEF7, lr;
	s5 =	simm.s32 $0xFFFFFFFF;
	p2 =	slt.u32 s8, $0xFFFFF086  }
0x1c: {  	p1 =	slt.u32 s9, $0xF7A;
	s5 =	simm.s32 @!p2 $0x0  }
0x1d: {  	s5 =	simm.s32 @p1 $0x1;
	p0 =	seq.s32 s7, s2  }
0x1e: {  	s7 =	smul.u32 @!p0 $0xF7A, s2;
	p2 =	seq.s32 @!p0 s5, $0x0  }
0x1f: {  	s9 =	smul.u32 $0xF7A, s1;
	s8 =	simm.s32 @!p0 $0x1BF5;
	p2 =	por !p2, p0  }
0x20: {  	[sflag:s8] =	ssyncset.s32 @!p0 $0xFFFFF086;
	s6 =	sadd.s32 @!p0 s3, s7;
	s7 =	simm.s32 @!p0 $0x108  }
0x21: {  	s3 =	sadd.s32 s3, s9;
	s6 =	sadd.s32 @!p0 $0x88, s6;
	s7 =	simm.s32 @p2 $0x1082  }
0x22: {  	[simem:s7], [sflag:s8] =	dma.local @!p0 [hbm:s6], $0xF7A  }
0x23: {  	s9 =	sor.u32 $0xD0000000, s2;
	s6 =	simm.s32 $0x108;
	_ =	swait.ge @!p0 [sflag:s8], $0x0  }
0x24: {  	s3 =	sadd.s32 $0x88, s3;
	s6 =	simm.s32 @!p1 $0x1082;
	[sflag:s4] =	ssyncset.s32 $0xFFFFF086  }
0x25: {  	[simem:s6], [sflag:s4] =	dma.local [hbm:s3], $0xF7A  }
0x26: {  	[smem:$0x3F9C] =	sst s1;
	(tag) =	ssettag s2;
	_ =	strace s9  }
0x27: {  	s1 =	sld [smem:$0x3FAC]  }
0x28: {  	s2 =	sld [smem:$0x3FAD]  }
0x29: {  	s4 =	sld [smem:$0x3FAF]  }
0x2a: {  	p0 =	seq.s32 s5, $0x0;
	s5 =	sld [smem:$0x3FB0]  }
0x2b: {  	s6 =	sld [smem:$0x3FB1]  }
0x2c: {  	s7 =	sld [smem:$0x3FB2]  }
0x2d: {  	s3 =	simm.s32 $0x108;
	s8 =	sld [smem:$0x3FB3]  }
0x2e: {  	s3 =	simm.s32 @!p0 $0x1082;
	s9 =	sld [smem:$0x3FB4]  }
0x2f: {  	lr =	sadd.s32 s0, s3;
	s0 =	sld [smem:$0x3FAB]  }
0x30: {  	s3 =	sld [smem:$0x3FAE]  }
0x31: {  	[smem:$0x3FB7] =	sst s10  }
0x32: {  	s10 =	sld [smem:$0x3FB5];
	_ =	sdelay $0x3  }
0x33: {  	p0 =	seq.s32 s10, $0x1;
	s10 =	sld [smem:$0x3FB7];
	_ =	sdelay $0x3  }
0x34: {  	[smem:$0x3FB7] =	sst s10  }
0x35: {  	s10 =	sld [smem:$0x3FB6];
	_ =	sdelay $0x3  }
0x36: {  	p1 =	seq.s32 s10, $0x1;
	s10 =	sld [smem:$0x3FB7];
	_ =	sdelay $0x3  }
0x37: {  	[smem:$0x3FB7] =	sst s10  }
0x38: {  	s10 =	sld [smem:$0x3FB8]  }
0x39: {  	_ = 	snop;
	(pc) =	sbr.ind lr, $3  }
0x3a: {  	_ = 	snop  }
0x3b: {  	_ = 	snop  }
0x3c: {  	p2 =	seq.s32 s10, $0x1;
	s10 =	sld [smem:$0x3FB7]  }
0x3d: {  	_ =	shalt  }
0x3e: {  	_ =	shalt  }
0x3f: {  	_ =	shalt  }
0x40: {  	_ =	shalt  }
0x41: {  	_ =	shalt  }
0x42: {  	_ =	shalt  }
0x43: {  	_ =	shalt  }
0x44: {  	_ =	shalt  }
0x45: {  	_ =	shalt  }
0x46: {  	_ =	shalt  }
0x47: {  	_ =	shalt  }
0x48: {  	_ =	shalt  }
0x49: {  	_ =	shalt  }
0x4a: {  	_ =	shalt  }
0x4b: {  	_ =	shalt  }
0x4c: {  	_ =	shalt  }
0x4d: {  	_ =	shalt  }
0x4e: {  	_ =	shalt  }
0x4f: {  	_ =	shalt  }
0x50: {  	_ =	shalt  }
0x51: {  	_ =	shalt  }
0x52: {  	_ =	shalt  }
0x53: {  	_ =	shalt  }
0x54: {  	_ =	shalt  }
0x55: {  	_ =	shalt  }
0x56: {  	_ =	shalt  }
0x57: {  	_ =	shalt  }
0x58: {  	_ =	shalt  }
0x59: {  	_ =	shalt  }
0x5a: {  	_ =	shalt  }
0x5b: {  	_ =	shalt  }
0x5c: {  	_ =	shalt  }
0x5d: {  	_ =	shalt  }
0x5e: {  	_ =	shalt  }
0x5f: {  	_ =	shalt  }
0x60: {  	_ =	shalt  }
0x61: {  	_ =	shalt  }
0x62: {  	_ =	shalt  }
0x63: {  	_ =	shalt  }
0x64: {  	_ =	shalt  }
0x65: {  	_ =	shalt  }
0x66: {  	_ =	shalt  }
0x67: {  	_ =	shalt  }
0x68: {  	_ =	shalt  }
0x69: {  	_ =	shalt  }
0x6a: {  	_ =	shalt  }
0x6b: {  	_ =	shalt  }
0x6c: {  	_ =	shalt  }
0x6d: {  	_ =	shalt  }
0x6e: {  	_ =	shalt  }
0x6f: {  	_ =	shalt  }
0x70: {  	_ =	shalt  }
0x71: {  	_ =	shalt  }
0x72: {  	_ =	shalt  }
0x73: {  	_ =	shalt  }
0x74: {  	_ =	shalt  }
0x75: {  	_ =	shalt  }
0x76: {  	_ =	shalt  }
0x77: {  	_ =	shalt  }
0x78: {  	_ =	shalt  }
0x79: {  	_ =	shalt  }
0x7a: {  	_ =	shalt  }
0x7b: {  	_ =	shalt  }
0x7c: {  	_ =	shalt  }
0x7d: {  	_ =	shalt  }
0x7e: {  	_ =	shalt  }
0x7f: {  	_ =	shalt  }
0x80: {  	_ =	shalt  }
0x81: {  	_ =	shalt  }
0x82: {  	_ =	shalt  }
0x83: {  	_ =	shalt  }
0x84: {  	_ =	shalt  }
0x85: {  	_ =	shalt  }
0x86: {  	_ =	shalt  }
0x87: {  	_ =	shalt  }
.Lfunc_end0:
.L_simem_size_0:
called_computation_lowered:
.L_overlay_start_0:
0x88: {  	s2 =	sld [smem:$0x3FD9]  }
0x89: {  	s3 =	sld [smem:$0x3FFE];
	_ =	sdelay $0x1  }
0x8a: {  	s1 =	srdreg.scid  }
0x8b: {  	s0 =	sand.u32 $0x1, s1  }
0x8c: {  	s30 =	sshll.u32 s0, $0xA;
	s2 =	sadd.s32 s3, s2  }
0x8d: {  	s2 =	sadd.s32 s2, s30  }
0x8e: {  	[smem:$0x3FC3] =	sst s2  }
0x8f: {  	_ = 	snop  }
0x90: {  	s2 =	sld [smem:$0x3FC9]  }
0x91: {  	s31 =	sld [smem:$0x3FC8]  }
0x92: {  	s4 =	sld [smem:$0x3FD0]  }
0x93: {  	s5 =	sld [smem:$0x3FC7]  }
0x94: {  	s6 =	sld [smem:$0x3FC6]  }
0x95: {  	s8 =	simm.s32 $0xA;
	s9 =	simm.s32 $0x10;
	s7 =	sld [smem:$0x3FC5]  }
0x96: {  	[smem:s9], [sflag:s8] =	dma.local [hbm:s4], $0x1  }
0x97: {  	_ =	swait.eq [sflag:s8], $0x1  }
0x98: {  	s9 =	sld [smem:$0x10]  }
0x99: {  	s18 =	sld [smem:$0x11]  }
0x9a: {  	s10 =	sld [smem:$0x12]  }
0x9b: {  	s11 =	sld [smem:$0x13];
	[sflag:s8] =	ssyncset.done $0x0  }
0x9c: {  	s12 =	sld [smem:$0x14];
	[sflag:s8] =	ssyncadd.s32 $0xFFFFFFFF  }
0x9d: {  	s19 =	sld [smem:$0x15];
	(tm) =	ssettm $0x1  }
0x9e: {  	s13 =	sld [smem:$0x3FFB];
	_ =	sdelay $0x3  }
0x9f: {  	_ =	strace s13  }
0xa0: {  	s13 =	sld [smem:$0x3FFC];
	_ =	sdelay $0x3  }
0xa1: {  	_ =	strace s13  }
0xa2: {  	s13 =	sld [smem:$0x3FFD];
	_ =	sdelay $0x3  }
0xa3: {  	_ =	strace s13  }
0xa4: {  	_ =	strace $0x8FFFFFFF  }
0xa5: {  	s20 =	sld [smem:$0x3FDB];
	_ =	sdelay $0x1  }
0xa6: {  	s14 =	simm.s32 $_scs_section_size  }
0xa7: {  	s15 =	simm.s32 $_size__tile_overlayer_lowered;
	s16 =	simm.s32 $_tile_overlayer_lowered  }
0xa8: {  	s23 =	simm.s32 $0x1BFF;
	s22 =	sshll.u32 s16, $0x1;
	s13 =	sadd.s32 s14, s20  }
0xa9: {  	s17 =	simm.s32 $0x0;
	s21 =	sshll.u32 s15, $0x1;
	s15 =	sadd.s32 s22, s13  }
0xaa: {  	[timem:s17], [sflag:s23] =	dma.local [hbm:s15], s21  }
0xab: {  	_ =	swait.ge [sflag:s23], s21  }
0xac: {  	s14 =	ssub.s32 $0x0, s21;
	[sflag:s23] =	ssyncset.done $0x0  }
0xad: {  	[sflag:s23] =	ssyncadd.s32 s14;
	_ =	sdelay $0x1  }
0xae: {  	s24 =	simm.s32 $0x1B8B  }
0xaf: {  	_ =	swait.ge [sflag:s24], $0x1  }
0xb0: {  	[sflag:s24] =	ssyncset.done $0x0  }
0xb1: {  	s25 =	simm.s32 $0x1B8E;
	[sflag:s24] =	ssyncadd.s32 $0xFFFFFFFF  }
0xb2: {  	s26 =	simm.s32 $execute0_lowered;
	[smem:$0x3FD2] =	sst s25  }
0xb3: {  	s14 =	sshll.u32 s26, $0x1;
	_ =	strace $0x80000046;
	[dreg:$0x1] =	wrdreg $0xFFFFFFFF  }
0xb4: {  	s28 =	simm.s32 $_size_execute0_lowered;
	s13 =	sadd.s32 s13, s14;
	[dreg:$0x0] =	wrdreg $0x0  }
0xb5: {  	s14 =	sshll.u32 s28, $0x1;
	[dreg:$0x2] =	wrdreg s13  }
0xb6: {  	[dreg:$0x3] =	wrdreg s14  }
0xb7: {  	[dreg:$0x4] =	wrdreg $0xC0  }
0xb8: {  	_ =	task [dreg:s17], $0x5FFFF  }
0xb9: {  	[dreg:$0x1] =	wrdreg $0xFFFFFFFF  }
0xba: {  	[dreg:$0x0] =	wrdreg $0x60  }
0xbb: {  	[dreg:$0x2] =	wrdreg s2  }
0xbc: {  	[dreg:$0x3] =	wrdreg s31  }
0xbd: {  	[dreg:$0x4] =	wrdreg s5  }
0xbe: {  	[dreg:$0x5] =	wrdreg s6  }
0xbf: {  	[dreg:$0x6] =	wrdreg s7  }
0xc0: {  	[dreg:$0x7] =	wrdreg s9  }
0xc1: {  	[dreg:$0x8] =	wrdreg s18  }
0xc2: {  	[dreg:$0x9] =	wrdreg s10  }
0xc3: {  	[dreg:$0xa] =	wrdreg s11  }
0xc4: {  	[dreg:$0xb] =	wrdreg s12  }
0xc5: {  	[dreg:$0xc] =	wrdreg s19  }
0xc6: {  	[dreg:$0xd] =	wrdreg $0x9  }
0xc7: {  	_ =	task.clear_ibuf [dreg:s17], $0xEFFFF;
	_ =	strace $0x90000046  }
0xc8: {  	s29 =	simm.s32 $0x9;
	_ =	strace $0x80000048  }
0xc9: {  	_ =	swait.ge [sflag:s29], $0x1  }
0xca: {  	[sflag:s29] =	ssyncadd.s32 $0xFFFFFFFF  }
0xcb: {  	_ =	strace $0x90000048  }
0xcc: {  	_ =	sfence  }
0xcd: {  	s30 =	sld [smem:$0x0];
	_ =	sdelay $0x2  }
0xce: {  	s31 =	sshll.u32 s1, $0xD;
	s1 =	sshrl.u32 s1, $0x2  }
0xcf: {  	s3 =	sand.u32 $0x4000, s31;
	s1 =	sadd.s32 s1, s30  }
0xd0: {  	s0 =	sor.u32 s3, s0;
	s1 =	sshll.u32 s1, $0x11  }
0xd1: {  	s0 =	sor.u32 s1, s0  }
0xd2: {  	s0 =	sadd.s32 $0x8F2B, s0  }
0xd3: {  	[sflag:s0] =	ssyncadd.remote.s32 $0x1  }
0xd4: {  	_ =	sfence.sel $0xFFFF  }
0xd5: {  	[dreg:$0x0] =	wrdreg $0xFFFFFFFF;
	(pc) =	sbr.abs _section_cstart, $3  }
0xd6: {  	[dreg:$0x1] =	wrdreg $0xFFFFFFFF  }
0xd7: {  	_ =	task.clear_ibuf [dreg:s17], $0x2FFFF;
	_ =	strace $0x9FFFFFFF  }
0xd8: {  	(tm) =	ssettm $0x7FFFFFFF  }
0xd9: {  	_ =	shalt  }
tec
execute0_lowered:
.L_overlay_start_1:
0x0: {  	(tag) =	ssettag $0x1  }
0x1: {  	s0 =	rddreg [dreg:$0x0]  }
0x2: {  	s1 =	rddreg [dreg:$0x1]  }
0x3: {  	s2 =	rddreg [dreg:$0x2]  }
0x4: {  	s7 =	rddreg [dreg:$0x3]  }
0x5: {  	s8 =	rddreg [dreg:$0x5]  }
0x6: {  	s9 =	rddreg [dreg:$0x6]  }
0x7: {  	s10 =	rddreg [dreg:$0x7];
	v0 =	vlaneseq.u32  }
0x8: {  	s11 =	rddreg [dreg:$0x8];
	v0 =	vand.u32 $0x7, v0  }
0x9: {  	s12 =	rddreg [dreg:$0x9];
	s3 =	simm.s32 $0x0;
	v0 =	vmul.u32 $0xC, v0  }
0xa: {  	[smem:$0x7FF] =	sst s3  }
0xb: {  	s13 =	rddreg [dreg:$0xa];
	_ =	strace $0x80000047;
	v1 =	vor.u32 $0x1, v0;
	[tilespmem:$0x1FFE0] =	vst v0  }
0xc: {  	v55 =	vor.u32 $0x2, v0;
	[tilespmem:$0x1FF40] =	vst v1  }
0xd: {  	v56 =	vor.u32 $0x3, v0;
	[tilespmem:$0x1FF50] =	vst v55  }
0xe: {  	s4 =	srdreg.scid;
	v57 =	vadd.s32 $0x4, v0;
	[tilespmem:$0x1FF60] =	vst v56  }
0xf: {  	s14 =	stileid.u32;
	s18 =	simm.s32 $0x14000;
	s19 =	simm.s32 $0x2;
	v58 =	vadd.s32 $0x5, v0;
	[tilespmem:$0x1FF70] =	vst v57  }
0x10: {  	s20 =	simm.s32 $0x1;
	s26 =	simm.s32 $0x12000;
	s4 =	sand.u32 $0x1, s4;
	v59 =	vadd.s32 $0x6, v0;
	[tilespmem:$0x1FF80] =	vst v58  }
0x11: {  	s14 =	sshll.u32 s14, $0xB;
	s5 =	ssub.s32 $0x2, s4;
	s4 =	sshll.u32 s4, $0xA;
	v60 =	vadd.s32 $0x7, v0;
	[tilespmem:$0x1FF90] =	vst v59  }
0x12: {  	s28 =	simm.s32 $0x0;
	s6 =	sshrl.u32 s5, $0x1;
	s14 =	sor.u32 s4, s14;
	v61 =	vadd.s32 $0x8, v0;
	[tilespmem:$0x1FFA0] =	vst v60  }
0x13: {  	s15 =	ssub.s32 s5, s6;
	s4 =	sadd.s32 s0, s14;
	s5 =	sadd.s32 s1, s14;
	v62 =	vadd.s32 $0x9, v0;
	[tilespmem:$0x1FFB0] =	vst v61  }
0x14: {  	s6 =	sadd.s32 s2, s14;
	s7 =	sadd.s32 s7, s14;
	s8 =	sadd.s32 s8, s14;
	v63 =	vadd.s32 $0xA, v0;
	[tilespmem:$0x1FFC0] =	vst v62  }
0x15: {  	s9 =	sadd.s32 s9, s14;
	s10 =	sadd.s32 s10, s14;
	s11 =	sadd.s32 s11, s14;
	v0 =	vadd.s32 $0xB, v0;
	[tilespmem:$0x1FFD0] =	vst v63  }
0x16: {  	s12 =	sadd.s32 s12, s14;
	s13 =	sadd.s32 s13, s14;
	s14 =	smax.u32 s15, $0x1;
	[tilespmem:$0x1FFF0] =	vst v0  }
.LBB2_1:
0x17: {  	[tilespmem:s3], [sflag:$0x1] =	stream.linear.gather [hbm4b:s4+s3], $0x2000, $0x38;
	[tilespmem:$0x14080] =	vst v63  }
0x18: {  	s0 =	simm.s32 $0x2000  }
0x19: {  	[tilespmem:s0], [sflag:$0x1] =	stream.linear.gather [hbm4b:s5+s3], $0x2000, $0x38;
	[tilespmem:$0x14080] =	vst v63  }
0x1a: {  	s22 =	simm.s32 $0x4000  }
0x1b: {  	[tilespmem:s22], [sflag:$0x1] =	stream.linear.gather [hbm4b:s6+s3], $0x2000, $0x38;
	[tilespmem:$0x14080] =	vst v63  }
0x1c: {  	s23 =	simm.s32 $0x6000  }
0x1d: {  	[tilespmem:s23], [sflag:$0x1] =	stream.linear.gather [hbm4b:s7+s3], $0x2000, $0x38;
	[tilespmem:$0x14080] =	vst v63  }
0x1e: {  	s24 =	rddreg [dreg:$0x4]  }
0x1f: {  	[tilespmem:s18], [sflag:$0x2] =	stream.linear.gather [hbm4b:s24+s3], $0x80, $0x38;
	[tilespmem:$0x14080] =	vst v63  }
0x20: {  	_ =	swait.ge [sflag:s19], $0x80  }
0x21: {  	v0 =	vld [tilespmem:$0x1FFE0]  }
0x22: {  	v53 =	vld [tilespmem:$0x1FF40]  }
0x23: {  	v54 =	vld [tilespmem:$0x1FF50]  }
0x24: {  	v55 =	vld [tilespmem:$0x1FF60]  }
0x25: {  	v56 =	vld [tilespmem:$0x1FF70]  }
0x26: {  	v57 =	vld [tilespmem:$0x1FF80]  }
0x27: {  	v58 =	vld [tilespmem:$0x1FF90]  }
0x28: {  	v59 =	vld [tilespmem:$0x1FFA0]  }
0x29: {  	v60 =	vld [tilespmem:$0x1FFB0]  }
0x2a: {  	v61 =	vld [tilespmem:$0x1FFC0]  }
0x2b: {  	[sflag:s19] =	ssyncset.done $0x0;
	v62 =	vld [tilespmem:$0x1FFD0]  }
0x2c: {  	v63 =	vld [tilespmem:$0x1FFF0];
	[sflag:s19] =	ssyncadd.s32 $0xFFFFFF80  }
0x2d: {  	v15 =	vld.idx.msk [tilespmem:v0+s18+$0x0], $0xffff  }
0x2e: {  	v16 =	vld.idx.msk [tilespmem:v53+s18+$0x0], $0xffff  }
0x2f: {  	v17 =	vld.idx.msk [tilespmem:v54+s18+$0x0], $0xffff  }
0x30: {  	v12 =	vld.idx.msk [tilespmem:v55+s18+$0x0], $0xffff  }
0x31: {  	v18 =	vld.idx.msk [tilespmem:v56+s18+$0x0], $0xffff  }
0x32: {  	v19 =	vld.idx.msk [tilespmem:v57+s18+$0x0], $0xffff  }
0x33: {  	v20 =	vld.idx.msk [tilespmem:v58+s18+$0x0], $0xffff  }
0x34: {  	v13 =	vld.idx.msk [tilespmem:v59+s18+$0x0], $0xffff  }
0x35: {  	v21 =	vld.idx.msk [tilespmem:v60+s18+$0x0], $0xffff  }
0x36: {  	v22 =	vld.idx.msk [tilespmem:v61+s18+$0x0], $0xffff  }
0x37: {  	v23 =	vld.idx.msk [tilespmem:v62+s18+$0x0], $0xffff  }
0x38: {  	v14 =	vld.idx.msk [tilespmem:v63+s18+$0x0], $0xffff;
	_ =	swait.ge [sflag:s20], $0x2000  }
0x39: {  	[sflag:s20] =	ssyncset.done $0x0  }
0x3a: {  	[sflag:s20] =	ssyncadd.s32 $0xFFFFE000  }
0x3b: {  	_ =	swait.ge [sflag:s20], $0x2000  }
0x3c: {  	[sflag:s20] =	ssyncset.done $0x0  }
0x3d: {  	[sflag:s20] =	ssyncadd.s32 $0xFFFFE000  }
0x3e: {  	_ =	swait.ge [sflag:s20], $0x2000  }
0x3f: {  	[sflag:s20] =	ssyncset.done $0x0  }
0x40: {  	[sflag:s20] =	ssyncadd.s32 $0xFFFFE000  }
0x41: {  	_ =	swait.ge [sflag:s20], $0x2000  }
0x42: {  	[sflag:s20] =	ssyncset.done $0x0  }
0x43: {  	s25 =	simm.s32 $0x20;
	[sflag:s20] =	ssyncadd.s32 $0xFFFFE000  }
0x44: {  	v36 =	vld [tilespmem:s25+$0x10];
	_ =	sdelay $0x4  }
0x45: {  	v35 =	vld [tilespmem:s25+$0xFFFFFFE0];
	v27 =	vperm.xlane v17, v36  }
0x46: {  	s29 =	simm.s32 $0x6020;
	v28 =	vperm.xlane v23, v36;
	v29 =	vperm.xlane v20, v36  }
0x47: {  	s30 =	simm.s32 $0x2020;
	v26 =	vld [tilespmem:s29+$0x10];
	v30 =	vperm.xlane v21, v36;
	v31 =	vperm.xlane v15, v36  }
0x48: {  	s31 =	simm.s32 $0x4020;
	v24 =	vld [tilespmem:s30+$0x10];
	v32 =	vperm.xlane v22, v36;
	v33 =	vperm.xlane v16, v36  }
0x49: {  	v25 =	vld [tilespmem:s31+$0x10];
	v34 =	vperm.xlane v18, v36;
	v37 =	vperm.xlane v19, v36  }
0x4a: {  	v4 =	vperm.xlane v15, v35;
	v5 =	vperm.xlane v16, v35  }
0x4b: {  	v52 =	vperm.xlane v17, v35;
	v53 =	vperm.xlane v20, v35  }
0x4c: {  	v54 =	vperm.xlane v21, v35;
	v55 =	vperm.xlane v22, v35  }
0x4d: {  	v56 =	vld [tilespmem:s29+$0xFFFFFFE0];
	v27 =	vmul.f32 v27, v26;
	v31 =	vmul.f32 v31, v24  }
0x4e: {  	v33 =	vmul.f32 v33, v25;
	v34 =	vmul.f32 v34, v24  }
0x4f: {  	v37 =	vmul.f32 v37, v25;
	v30 =	vmul.f32 v30, v24;
	v24 =	vld [tilespmem:s25+$0xFFFFFFF0]  }
0x50: {  	v25 =	vmul.f32 v32, v25;
	v29 =	vmul.f32 v29, v26  }
0x51: {  	v26 =	vmul.f32 v28, v26;
	v28 =	vperm.xlane v19, v35;
	v31 =	vadd.f32 v33, v31  }
0x52: {  	v52 =	vmul.f32 v52, v56;
	v53 =	vmul.f32 v53, v56  }
0x53: {  	v3 =	vadd.f32 v37, v34;
	v40 =	vadd.f32 v27, v31;
	v27 =	vperm.xlane v18, v35  }
0x54: {  	v30 =	vadd.f32 v25, v30;
	v25 =	vld [tilespmem:s25+$0x0];
	v6 =	vperm.xlane v15, v24;
	v39 =	vperm.xlane v16, v24  }
0x55: {  	v42 =	vperm.xlane v18, v24;
	v44 =	vperm.xlane v19, v24  }
0x56: {  	v43 =	vld [tilespmem:s31+$0xFFFFFFF0];
	v38 =	vadd.f32 v29, v3;
	v57 =	vperm.xlane v17, v24;
	v9 =	vperm.xlane v20, v24  }
0x57: {  	v41 =	vld [tilespmem:s30+$0xFFFFFFF0];
	v10 =	vperm.xlane v21, v24;
	v59 =	vperm.xlane v22, v24  }
0x58: {  	v37 =	vadd.f32 v26, v30;
	v26 =	vmul.f32 v40, v40;
	v30 =	vmul.f32 v38, v38  }
0x59: {  	v45 =	vperm.xlane v15, v25;
	v46 =	vperm.xlane v16, v25  }
0x5a: {  	v58 =	vld [tilespmem:s29+$0xFFFFFFF0];
	v47 =	vperm.xlane v18, v25;
	v48 =	vperm.xlane v19, v25  }
0x5b: {  	v29 =	vld [tilespmem:s30+$0xFFFFFFE0];
	v7 =	vmul.f32 v39, v43;
	v26 =	vadd.f32 v30, v26;
	v30 =	vmul.f32 v37, v37  }
0x5c: {  	v31 =	vld [tilespmem:s31+$0xFFFFFFE0];
	v42 =	vmul.f32 v42, v41;
	v44 =	vmul.f32 v44, v43  }
0x5d: {  	v11 =	vperm.xlane v17, v25;
	v60 =	vperm.xlane v20, v25;
	v26 =	vadd.f32 v30, v26  }
0x5e: {  	v49 =	vld [tilespmem:s31+$0x0];
	v0 =	vperm.xlane v21, v25;
	v61 =	vperm.xlane v22, v25  }
0x5f: {  	v2 =	vmul.f32 v57, v58;
	v3 =	vmul.f32 v9, v58;
	v26 =	vmax.f32 v26, $1.000000020e-16  }
0x60: {  	v33 =	vmul.f32 v4, v29;
	v50 =	vshrl.u32 v26, $0x1;
	v51 =	vmul.f32 $5.000000000e-01, v26  }
0x61: {  	v1 =	vld [tilespmem:s29+$0x0];
	v34 =	vmul.f32 v5, v31;
	v27 =	vmul.f32 v27, v29;
	v8 =	vsub.s32 $0x5F3759DF, v50  }
0x62: {  	v28 =	vmul.f32 v28, v31;
	v50 =	vmul.f32 v8, v51  }
0x63: {  	v46 =	vmul.f32 v46, v49;
	v48 =	vmul.f32 v48, v49  }
0x64: {  	v54 =	vmul.f32 v54, v29;
	v50 =	vmul.f32 v8, v50  }
0x65: {  	v31 =	vmul.f32 v55, v31;
	v4 =	vmul.f32 v10, v41  }
0x66: {  	v5 =	vmul.f32 v59, v43;
	v32 =	vmul.f32 v11, v1;
	v30 =	vld [tilespmem:s30+$0x0];
	v50 =	vsub.f32 $1.500000000e+00, v50  }
0x67: {  	v42 =	vadd.f32 v44, v42;
	v10 =	vmul.f32 v61, v49;
	v11 =	vperm.xlane v23, v24  }
0x68: {  	v33 =	vadd.f32 v34, v33;
	v27 =	vadd.f32 v28, v27;
	v39 =	vmul.f32 v8, v50  }
0x69: {  	v9 =	vadd.f32 v31, v54;
	v54 =	vmul.f32 v11, v58;
	v26 =	vmul.f32 v6, v41  }
0x6a: {  	v34 =	vadd.f32 v5, v4;
	v6 =	vmul.f32 v60, v1;
	v28 =	vmul.f32 v39, v51  }
0x6b: {  	v29 =	vadd.f32 v52, v33;
	v45 =	vmul.f32 v45, v30;
	v47 =	vmul.f32 v47, v30  }
0x6c: {  	v34 =	vadd.f32 v54, v34;
	v26 =	vadd.f32 v7, v26;
	v28 =	vmul.f32 v28, v39  }
0x6d: {  	v7 =	vmul.f32 v0, v30;
	v45 =	vadd.f32 v46, v45;
	v47 =	vadd.f32 v48, v47  }
0x6e: {  	v63 =	vmul.f32 v34, v34;
	v26 =	vadd.f32 v2, v26;
	v28 =	vsub.f32 $1.500000000e+00, v28  }
0x6f: {  	v55 =	vadd.f32 v10, v7;
	v30 =	vadd.f32 v32, v45;
	v8 =	vperm.xlane v23, v35  }
0x70: {  	v52 =	vmul.f32 v28, v39;
	v28 =	vadd.f32 v53, v27;
	v53 =	vperm.xlane v23, v25  }
0x71: {  	v58 =	vmul.f32 v26, v26;
	v27 =	vadd.f32 v3, v42;
	v42 =	vmul.f32 v8, v56  }
0x72: {  	v31 =	vadd.f32 v6, v47;
	v56 =	vmul.f32 v29, v29;
	v32 =	vmul.f32 v53, v1  }
0x73: {  	v33 =	vadd.f32 v42, v9;
	v57 =	vmul.f32 v28, v28;
	v59 =	vmul.f32 v27, v27  }
0x74: {  	v60 =	vmul.f32 v30, v30;
	v61 =	vmul.f32 v31, v31;
	v32 =	vadd.f32 v32, v55  }
0x75: {  	v39 =	vadd.f32 v57, v56;
	v62 =	vmul.f32 v33, v33;
	v41 =	vadd.f32 v59, v58  }
0x76: {  	v11 =	vperm.xlane v12, v36;
	v54 =	vperm.xlane v13, v36;
	v42 =	vadd.f32 v61, v60  }
0x77: {  	v0 =	vmul.f32 v32, v32;
	v39 =	vadd.f32 v62, v39;
	v41 =	vadd.f32 v63, v41  }
0x78: {  	v36 =	vperm.xlane v14, v36;
	v1 =	vmul.f32 v52, v51  }
0x79: {  	v42 =	vadd.f32 v0, v42;
	v39 =	vmax.f32 v39, $1.000000020e-16;
	v41 =	vmax.f32 v41, $1.000000020e-16  }
0x7a: {  	v3 =	vshrl.u32 v39, $0x1;
	v4 =	vmul.f32 $5.000000000e-01, v39;
	v6 =	vshrl.u32 v41, $0x1  }
0x7b: {  	v7 =	vmul.f32 $5.000000000e-01, v41;
	v5 =	vmax.f32 v42, $1.000000020e-16;
	v44 =	vsub.s32 $0x5F3759DF, v3  }
0x7c: {  	v42 =	vsub.s32 $0x5F3759DF, v6;
	v8 =	vshrl.u32 v5, $0x1;
	v39 =	vmul.f32 $5.000000000e-01, v5  }
0x7d: {  	v9 =	vmul.f32 v44, v4;
	v10 =	vmul.f32 v42, v7;
	v41 =	vsub.s32 $0x5F3759DF, v8  }
0x7e: {  	v61 =	vperm.xlane v13, v35;
	v53 =	vmul.f32 v41, v39  }
0x7f: {  	v47 =	vmul.f32 v44, v9;
	v48 =	vmul.f32 v42, v10  }
0x80: {  	v2 =	vmul.f32 v1, v52;
	v50 =	vmul.f32 v41, v53  }
0x81: {  	v59 =	vperm.xlane v12, v35;
	v47 =	vsub.f32 $1.500000000e+00, v47;
	v48 =	vsub.f32 $1.500000000e+00, v48  }
0x82: {  	v35 =	vperm.xlane v14, v35;
	v43 =	vsub.f32 $1.500000000e+00, v2;
	v50 =	vsub.f32 $1.500000000e+00, v50  }
0x83: {  	s2 =	simm.s32 $0x8020;
	v44 =	vmul.f32 v44, v47;
	v42 =	vmul.f32 v42, v48  }
0x84: {  	s1 =	simm.s32 $0xA020;
	[tilespmem:s2+$0x10] =	vst v11;
	v43 =	vmul.f32 v43, v52;
	v41 =	vmul.f32 v41, v50  }
0x85: {  	s0 =	simm.s32 $0xC020;
	[tilespmem:s1+$0x10] =	vst v54;
	v47 =	vmul.f32 v44, v4;
	v48 =	vmul.f32 v42, v7  }
0x86: {  	[tilespmem:s0+$0x10] =	vst v36;
	v40 =	vmul.f32 v43, v40;
	v56 =	vmul.f32 v41, v39  }
0x87: {  	[tilespmem:s2+$0xFFFFFFE0] =	vst v59;
	v57 =	vmul.f32 v47, v44;
	v58 =	vmul.f32 v48, v42  }
0x88: {  	[tilespmem:s1+$0xFFFFFFE0] =	vst v61;
	v55 =	vmul.f32 v43, v37;
	v37 =	vmul.f32 v56, v41  }
0x89: {  	s21 =	simm.s32 $0xE020;
	[tilespmem:s0+$0xFFFFFFE0] =	vst v35;
	v38 =	vmul.f32 v43, v38;
	v60 =	vsub.f32 $1.500000000e+00, v57;
	v43 =	vsub.f32 $1.500000000e+00, v58  }
0x8a: {  	s22 =	simm.s32 $0x10020;
	v62 =	vperm.xlane v12, v24;
	[tilespmem:s21+$0x10] =	vst v40;
	v63 =	vsub.f32 $1.500000000e+00, v37  }
0x8b: {  	[tilespmem:s22+$0x10] =	vst v38;
	v38 =	vmul.f32 v60, v44;
	v37 =	vmul.f32 v43, v42  }
0x8c: {  	s16 =	simm.s32 $0xE020;
	s17 =	simm.s32 $0x10020;
	s23 =	simm.s32 $0x12020;
	v35 =	vperm.xlane v13, v24;
	[tilespmem:s2+$0xFFFFFFF0] =	vst v62;
	v36 =	vmul.f32 v63, v41  }
0x8d: {  	s15 =	simm.s32 $0x12020;
	s24 =	simm.s32 $0x0;
	s25 =	simm.s32 $0x60;
	[tilespmem:s23+$0x10] =	vst v55;
	v41 =	vmul.f32 v38, v4;
	v40 =	vmul.f32 v37, v7  }
.LBB2_2:
0x8e: {  	v42 =	vld [tilespmem:s25+$0x10];
	[tilespmem:s1+$0xFFFFFFF0] =	vst v35;
	v35 =	vperm.xlane v14, v24;
	v39 =	vmul.f32 v36, v39  }
0x8f: {  	v24 =	vld [tilespmem:s25+$0xFFFFFFF0];
	v41 =	vmul.f32 v41, v38;
	v40 =	vmul.f32 v40, v37  }
0x90: {  	v44 =	vperm.xlane v12, v25;
	s29 =	sadd.s32 $0x40, s29;
	v43 =	vld [tilespmem:s25+$0x0];
	[tilespmem:s0+$0xFFFFFFF0] =	vst v35;
	v35 =	vmul.f32 v39, v36  }
0x91: {  	v45 =	vperm.xlane v13, v25;
	s30 =	sadd.s32 $0x40, s30;
	v49 =	vld [tilespmem:s29+$0x10];
	v41 =	vsub.f32 $1.500000000e+00, v41;
	v39 =	vsub.f32 $1.500000000e+00, v40  }
0x92: {  	v0 =	vperm.xlane v14, v25;
	s31 =	sadd.s32 $0x40, s31;
	v46 =	vld [tilespmem:s30+$0x10];
	v40 =	vsub.f32 $1.500000000e+00, v35;
	[tilespmem:s2+$0x0] =	vst v44  }
0x93: {  	v44 =	vld [tilespmem:s31+$0x10];
	v47 =	vperm.xlane v17, v42;
	v50 =	vperm.xlane v23, v42;
	[tilespmem:s1+$0x0] =	vst v45  }
0x94: {  	s24 =	sadd.s32 $0x40, s24;
	v45 =	vperm.xlane v20, v42;
	v48 =	vperm.xlane v21, v42;
	v35 =	vld [tilespmem:s25+$0xFFFFFFE0];
	[tilespmem:s0+$0x0] =	vst v0  }
0x95: {  	p0 =	slt.u32 s24, $0x1FC0;
	v52 =	vperm.xlane v15, v42;
	v53 =	vperm.xlane v22, v42;
	v51 =	vld [tilespmem:s30+$0xFFFFFFE0];
	v25 =	vmov v43  }
0x96: {  	v55 =	vperm.xlane v18, v42;
	v43 =	vperm.xlane v16, v42;
	v54 =	vld [tilespmem:s31+$0xFFFFFFE0]  }
0x97: {  	v57 =	vmul.f32 v47, v49;
	v47 =	vperm.xlane v19, v42;
	v56 =	vld [tilespmem:s30+$0xFFFFFFF0]  }
0x98: {  	v52 =	vmul.f32 v52, v46;
	v58 =	vld [tilespmem:s31+$0xFFFFFFF0];
	v43 =	vmul.f32 v43, v44  }
0x99: {  	v55 =	vmul.f32 v55, v46;
	v47 =	vmul.f32 v47, v44;
	v59 =	vld [tilespmem:s30+$0x0]  }
0x9a: {  	v46 =	vmul.f32 v48, v46;
	v44 =	vmul.f32 v53, v44;
	v60 =	vld [tilespmem:s31+$0x0]  }
0x9b: {  	v53 =	vmul.f32 v45, v49;
	v43 =	vadd.f32 v43, v52;
	v52 =	vadd.f32 v47, v55;
	v48 =	vld [tilespmem:s29+$0xFFFFFFE0]  }
0x9c: {  	v61 =	vperm.xlane v16, v35;
	v55 =	vperm.xlane v15, v35;
	v44 =	vadd.f32 v44, v46;
	v47 =	vld [tilespmem:s29+$0xFFFFFFF0]  }
0x9d: {  	v49 =	vmul.f32 v50, v49;
	v45 =	vadd.f32 v57, v43;
	v43 =	vadd.f32 v53, v52;
	v46 =	vld [tilespmem:s29+$0x0]  }
0x9e: {  	v50 =	vperm.xlane v18, v35;
	v52 =	vperm.xlane v19, v35  }
0x9f: {  	v44 =	vadd.f32 v49, v44;
	v49 =	vmul.f32 v45, v45;
	v53 =	vmul.f32 v43, v43  }
0xa0: {  	v62 =	vperm.xlane v16, v24;
	v57 =	vperm.xlane v15, v24  }
0xa1: {  	v63 =	vperm.xlane v18, v24;
	v49 =	vadd.f32 v53, v49;
	v53 =	vmul.f32 v44, v44  }
0xa2: {  	v1 =	vperm.xlane v19, v24;
	v2 =	vperm.xlane v15, v25  }
0xa3: {  	v3 =	vperm.xlane v16, v25;
	v4 =	vperm.xlane v18, v25;
	v49 =	vadd.f32 v53, v49  }
0xa4: {  	v53 =	vmul.f32 v55, v51;
	v55 =	vperm.xlane v19, v25  }
0xa5: {  	v61 =	vmul.f32 v61, v54;
	v50 =	vmul.f32 v50, v51;
	v49 =	vmax.f32 v49, $1.000000020e-16  }
0xa6: {  	v52 =	vmul.f32 v52, v54;
	v5 =	vshrl.u32 v49, $0x1;
	v49 =	vmul.f32 $5.000000000e-01, v49  }
0xa7: {  	v62 =	vmul.f32 v62, v58;
	v57 =	vmul.f32 v57, v56;
	v5 =	vsub.s32 $0x5F3759DF, v5  }
0xa8: {  	v53 =	vadd.f32 v61, v53;
	v61 =	vmul.f32 v63, v56;
	v63 =	vmul.f32 v5, v49  }
0xa9: {  	v1 =	vmul.f32 v1, v58;
	v2 =	vmul.f32 v2, v59;
	v50 =	vadd.f32 v52, v50  }
0xaa: {  	v3 =	vmul.f32 v3, v60;
	v52 =	vadd.f32 v62, v57;
	v57 =	vmul.f32 v5, v63  }
0xab: {  	v4 =	vmul.f32 v4, v59;
	v55 =	vmul.f32 v55, v60;
	v1 =	vadd.f32 v1, v61  }
0xac: {  	v62 =	vperm.xlane v20, v35;
	v61 =	vperm.xlane v17, v35;
	v57 =	vsub.f32 $1.500000000e+00, v57  }
0xad: {  	v6 =	vperm.xlane v22, v35;
	v2 =	vadd.f32 v3, v2;
	v63 =	vperm.xlane v21, v35  }
0xae: {  	v3 =	vperm.xlane v17, v24;
	v4 =	vadd.f32 v55, v4;
	v5 =	vmul.f32 v5, v57  }
0xaf: {  	v55 =	vperm.xlane v20, v24;
	v57 =	vperm.xlane v21, v24  }
0xb0: {  	v7 =	vperm.xlane v22, v24;
	v8 =	vmul.f32 v5, v49  }
0xb1: {  	v9 =	vperm.xlane v17, v25;
	v10 =	vperm.xlane v20, v25  }
0xb2: {  	v11 =	vperm.xlane v21, v25;
	v8 =	vmul.f32 v8, v5  }
0xb3: {  	v0 =	vperm.xlane v22, v25;
	v61 =	vmul.f32 v61, v48  }
0xb4: {  	v62 =	vmul.f32 v62, v48;
	v51 =	vmul.f32 v63, v51;
	v8 =	vsub.f32 $1.500000000e+00, v8  }
0xb5: {  	v6 =	vmul.f32 v6, v54;
	v3 =	vmul.f32 v3, v47;
	v53 =	vadd.f32 v61, v53  }
0xb6: {  	v50 =	vadd.f32 v62, v50;
	v54 =	vmul.f32 v55, v47;
	v5 =	vmul.f32 v8, v5  }
0xb7: {  	v7 =	vmul.f32 v7, v58;
	v3 =	vadd.f32 v3, v52;
	v8 =	vmul.f32 v57, v56  }
0xb8: {  	v9 =	vmul.f32 v9, v46;
	v1 =	vadd.f32 v54, v1;
	v49 =	vmul.f32 v5, v49  }
0xb9: {  	v11 =	vmul.f32 v11, v59;
	v10 =	vmul.f32 v10, v46;
	v6 =	vadd.f32 v6, v51  }
0xba: {  	v0 =	vmul.f32 v0, v60;
	v2 =	vadd.f32 v9, v2;
	v9 =	vmul.f32 v49, v5  }
0xbb: {  	v4 =	vadd.f32 v10, v4;
	v51 =	vperm.xlane v23, v24;
	v49 =	vperm.xlane v23, v35  }
0xbc: {  	v7 =	vadd.f32 v7, v8;
	v8 =	vperm.xlane v23, v25;
	v9 =	vsub.f32 $1.500000000e+00, v9  }
0xbd: {  	v0 =	vadd.f32 v0, v11;
	v11 =	vperm.xlane v12, v42;
	v10 =	vmul.f32 v49, v48  }
0xbe: {  	s2 =	sadd.s32 $0x40, s2;
	v5 =	vmul.f32 v9, v5;
	v9 =	vperm.xlane v13, v42  }
0xbf: {  	s1 =	sadd.s32 $0x40, s1;
	v6 =	vadd.f32 v10, v6;
	v10 =	vmul.f32 v51, v47;
	[tilespmem:s2+$0x10] =	vst v11;
	v11 =	vperm.xlane v14, v42  }
0xc0: {  	s0 =	sadd.s32 $0x40, s0;
	v8 =	vmul.f32 v8, v46;
	[tilespmem:s1+$0x10] =	vst v9;
	v9 =	vmul.f32 v5, v45  }
0xc1: {  	s21 =	sadd.s32 $0x40, s21;
	v42 =	vmul.f32 v53, v53;
	v7 =	vadd.f32 v10, v7;
	v10 =	vmul.f32 v5, v43;
	[tilespmem:s0+$0x10] =	vst v11  }
0xc2: {  	s22 =	sadd.s32 $0x40, s22;
	v0 =	vadd.f32 v8, v0;
	v5 =	vmul.f32 v5, v44;
	v11 =	vmul.f32 v50, v50;
	[tilespmem:s21+$0x10] =	vst v9  }
0xc3: {  	s23 =	sadd.s32 $0x40, s23;
	v8 =	vmul.f32 v3, v3;
	v9 =	vmul.f32 v1, v1;
	[tilespmem:s22+$0x10] =	vst v10  }
0xc4: {  	v10 =	vadd.f32 v11, v42;
	v11 =	vmul.f32 v2, v2;
	v42 =	vmul.f32 v4, v4;
	[tilespmem:s23+$0x10] =	vst v5  }
0xc5: {  	v5 =	vmul.f32 v6, v6;
	v8 =	vadd.f32 v9, v8;
	v9 =	vmul.f32 v7, v7  }
0xc6: {  	v38 =	vmul.f32 v41, v38;
	v11 =	vadd.f32 v42, v11;
	v42 =	vmul.f32 v0, v0  }
0xc7: {  	v5 =	vadd.f32 v5, v10;
	v8 =	vadd.f32 v9, v8;
	v9 =	vmul.f32 v39, v37  }
0xc8: {  	v36 =	vmul.f32 v40, v36;
	v10 =	vadd.f32 v42, v11;
	v11 =	vmul.f32 v38, v29;
	v29 =	vmovc v53  }
0xc9: {  	v37 =	vmul.f32 v38, v28;
	v28 =	vmovc v50;
	v5 =	vmax.f32 v5, $1.000000020e-16;
	v8 =	vmax.f32 v8, $1.000000020e-16  }
0xca: {  	v39 =	vshrl.u32 v5, $0x1;
	v5 =	vmul.f32 $5.000000000e-01, v5;
	v10 =	vmax.f32 v10, $1.000000020e-16;
	[tilespmem:s16+$0xFFFFFFE0] =	vst v11  }
0xcb: {  	v11 =	vshrl.u32 v8, $0x1;
	v8 =	vmul.f32 $5.000000000e-01, v8;
	v40 =	vshrl.u32 v10, $0x1;
	[tilespmem:s17+$0xFFFFFFE0] =	vst v37  }
0xcc: {  	v37 =	vsub.s32 $0x5F3759DF, v39;
	v11 =	vsub.s32 $0x5F3759DF, v11;
	v39 =	vmul.f32 $5.000000000e-01, v10  }
0xcd: {  	v40 =	vsub.s32 $0x5F3759DF, v40;
	v10 =	vmul.f32 v37, v5;
	v41 =	vmul.f32 v11, v8  }
0xce: {  	v38 =	vmul.f32 v38, v33;
	v33 =	vmov v6;
	v42 =	vmul.f32 v40, v39  }
0xcf: {  	v6 =	vmul.f32 v37, v10;
	v10 =	vmul.f32 v11, v41  }
0xd0: {  	v41 =	vmul.f32 v40, v42;
	[tilespmem:s15+$0xFFFFFFE0] =	vst v38;
	v38 =	vmul.f32 v9, v26;
	v26 =	vmov v3  }
0xd1: {  	v3 =	vsub.f32 $1.500000000e+00, v6;
	v6 =	vsub.f32 $1.500000000e+00, v10;
	v10 =	vmul.f32 v9, v27;
	v27 =	vmovc v1  }
0xd2: {  	v9 =	vmul.f32 v9, v34;
	v1 =	vsub.f32 $1.500000000e+00, v41;
	[tilespmem:s16+$0xFFFFFFF0] =	vst v38;
	v38 =	vmul.f32 v36, v30;
	v30 =	vmovc v2  }
0xd3: {  	v34 =	vmov v7;
	v2 =	vmul.f32 v37, v3;
	v3 =	vmul.f32 v11, v6;
	[tilespmem:s17+$0xFFFFFFF0] =	vst v10  }
0xd4: {  	v6 =	vmul.f32 v36, v31;
	v31 =	vmov v4;
	v1 =	vmul.f32 v40, v1;
	[tilespmem:s15+$0xFFFFFFF0] =	vst v9  }
0xd5: {  	v4 =	vmul.f32 v2, v5;
	v7 =	vmul.f32 v3, v8;
	[tilespmem:s16+$0x0] =	vst v38;
	s16 =	smov.u32 s21  }
0xd6: {  	v9 =	vmul.f32 v1, v39;
	[tilespmem:s17+$0x0] =	vst v6;
	v6 =	vmul.f32 v36, v32;
	v32 =	vmov v0;
	s17 =	smov.u32 s22  }
0xd7: {  	v0 =	vmul.f32 v4, v2;
	v4 =	vmul.f32 v7, v3  }
0xd8: {  	v7 =	vperm.xlane v12, v35;
	v9 =	vmul.f32 v9, v1;
	[tilespmem:s15+$0x0] =	vst v6;
	s15 =	smov.u32 s23  }
.Ltmp0:
0xd9: {  	v0 =	vsub.f32 $1.500000000e+00, v0;
	v6 =	vperm.xlane v13, v35;
	v4 =	vsub.f32 $1.500000000e+00, v4;
	(pc) =	sbr.rel @p0 .LBB2_2-.Ltmp0, $4  }
0xda: {  	v10 =	vperm.xlane v12, v24;
	v9 =	vsub.f32 $1.500000000e+00, v9;
	[tilespmem:s2+$0xFFFFFFE0] =	vst v7;
	v7 =	vperm.xlane v14, v35  }
0xdb: {  	v38 =	vmul.f32 v0, v2;
	v37 =	vmul.f32 v4, v3;
	[tilespmem:s1+$0xFFFFFFE0] =	vst v6  }
0xdc: {  	v35 =	vperm.xlane v13, v24;
	v36 =	vmul.f32 v9, v1;
	[tilespmem:s0+$0xFFFFFFE0] =	vst v7  }
0xdd: {  	s25 =	sadd.s32 $0x40, s25;
	v41 =	vmul.f32 v38, v5;
	v40 =	vmul.f32 v37, v8;
	[tilespmem:s2+$0xFFFFFFF0] =	vst v10  }
0xde: {  	_ = 	snop  }
0xdf: {  	v0 =	vmul.f32 v41, v38  }
0xe0: {  	v3 =	vmul.f32 v40, v37  }
0xe1: {  	v1 =	vperm.xlane v14, v24;
	v2 =	vmul.f32 v36, v39;
	v0 =	vsub.f32 $1.500000000e+00, v0  }
0xe2: {  	[tilespmem:s1+$0xFFFFFFF0] =	vst v35;
	v4 =	vperm.xlane v12, v25;
	v54 =	vperm.xlane v13, v25;
	v3 =	vsub.f32 $1.500000000e+00, v3  }
0xe3: {  	[tilespmem:s0+$0xFFFFFFF0] =	vst v1;
	v2 =	vmul.f32 v2, v36;
	v0 =	vmul.f32 v0, v38  }
0xe4: {  	v55 =	vperm.xlane v14, v25;
	[tilespmem:s2+$0x0] =	vst v4;
	v3 =	vmul.f32 v3, v37  }
0xe5: {  	[tilespmem:s1+$0x0] =	vst v54;
	v2 =	vsub.f32 $1.500000000e+00, v2;
	v56 =	vmul.f32 v0, v29  }
0xe6: {  	[tilespmem:s0+$0x0] =	vst v55;
	v58 =	vmul.f32 v3, v26  }
0xe7: {  	v2 =	vmul.f32 v2, v36;
	v57 =	vmul.f32 v0, v28;
	[tilespmem:s16+$0xFFFFFFE0] =	vst v56  }
0xe8: {  	v59 =	vmul.f32 v3, v27;
	[tilespmem:s16+$0xFFFFFFF0] =	vst v58  }
0xe9: {  	v61 =	vmul.f32 v2, v30;
	[tilespmem:s17+$0xFFFFFFE0] =	vst v57  }
0xea: {  	v0 =	vmul.f32 v0, v33;
	[tilespmem:s17+$0xFFFFFFF0] =	vst v59  }
0xeb: {  	v60 =	vmul.f32 v3, v34;
	[tilespmem:s16+$0x0] =	vst v61  }
0xec: {  	v62 =	vmul.f32 v2, v31;
	[tilespmem:s15+$0xFFFFFFE0] =	vst v0  }
0xed: {  	v63 =	vmul.f32 v2, v32;
	[tilespmem:s15+$0xFFFFFFF0] =	vst v60  }
0xee: {  	[tilespmem:s17+$0x0] =	vst v62  }
0xef: {  	s24 =	simm.s32 $0x8000;
	[tilespmem:s15+$0x0] =	vst v63  }
0xf0: {  	[hbm4b:s8+s3] =	stream.linear.scatter [tilespmem:s24], [sflag:$0x1], $0x2000, $0x38;
	[tilespmem:$0x14080] =	vst v63  }
0xf1: {  	s25 =	simm.s32 $0xA000  }
0xf2: {  	[hbm4b:s9+s3] =	stream.linear.scatter [tilespmem:s25], [sflag:$0x1], $0x2000, $0x38;
	[tilespmem:$0x14080] =	vst v63  }
0xf3: {  	s29 =	simm.s32 $0xC000  }
0xf4: {  	[hbm4b:s10+s3] =	stream.linear.scatter [tilespmem:s29], [sflag:$0x1], $0x2000, $0x38;
	[tilespmem:$0x14080] =	vst v63  }
0xf5: {  	s30 =	simm.s32 $0xE000  }
0xf6: {  	[hbm4b:s11+s3] =	stream.linear.scatter [tilespmem:s30], [sflag:$0x1], $0x2000, $0x38;
	[tilespmem:$0x14080] =	vst v63  }
0xf7: {  	s31 =	simm.s32 $0x10000  }
0xf8: {  	[hbm4b:s12+s3] =	stream.linear.scatter [tilespmem:s31], [sflag:$0x1], $0x2000, $0x38;
	[tilespmem:$0x14080] =	vst v63  }
0xf9: {  	_ = 	snop  }
0xfa: {  	[hbm4b:s13+s3] =	stream.linear.scatter [tilespmem:s26], [sflag:$0x1], $0x2000, $0x38;
	[tilespmem:$0x14080] =	vst v63  }
0xfb: {  	_ =	swait.ge [sflag:s20], $0x2000  }
0xfc: {  	[sflag:s20] =	ssyncset.done $0x0  }
0xfd: {  	[sflag:s20] =	ssyncadd.s32 $0xFFFFE000  }
0xfe: {  	_ =	swait.ge [sflag:s20], $0x2000  }
0xff: {  	[sflag:s20] =	ssyncset.done $0x0  }
0x100: {  	[sflag:s20] =	ssyncadd.s32 $0xFFFFE000  }
0x101: {  	_ =	swait.ge [sflag:s20], $0x2000  }
0x102: {  	[sflag:s20] =	ssyncset.done $0x0  }
0x103: {  	[sflag:s20] =	ssyncadd.s32 $0xFFFFE000  }
0x104: {  	_ =	swait.ge [sflag:s20], $0x2000  }
0x105: {  	[sflag:s20] =	ssyncset.done $0x0  }
0x106: {  	s28 =	sadd.s32 $0x1, s28;
	[sflag:s20] =	ssyncadd.s32 $0xFFFFE000  }
0x107: {  	p0 =	sne.s32 s28, s14;
	_ =	swait.ge [sflag:s20], $0x2000  }
.Ltmp1:
0x108: {  	[sflag:s20] =	ssyncset.done $0x0;
	(pc) =	sbr.rel @p0 .LBB2_1-.Ltmp1, $4  }
0x109: {  	[sflag:s20] =	ssyncadd.s32 $0xFFFFE000  }
0x10a: {  	_ =	swait.ge [sflag:s20], $0x2000  }
0x10b: {  	[sflag:s20] =	ssyncset.done $0x0  }
0x10c: {  	[sflag:s20] =	ssyncadd.s32 $0xFFFFE000  }
0x10d: {  	_ =	sfence.sel $0x180000  }
0x10e: {  	[bflag:$0x0] =	sbarrier.arrive $0xFFFF  }
0x10f: {  	_ =	strace $0x90000047  }
0x110: {  	s0 =	stileid.u32;
	[bflag:$0x2] =	sbarrier.arrive $0xFFFF  }
0x111: {  	p0 =	sne.s32 s0, $0x0;
	s0 =	rddreg [dreg:$0xb]  }
0x112: {  	s0 =	sadd.s32 @!p0 $0x100000, s0  }
0x113: {  	[sflag:s0] =	ssyncadd.tile.s32 @!p0 $0x1;
	_ =	shalt  }
.Lfunc_end2:
_tile_overlayer_lowered:
.L_overlay_start_2:
0x114: {  	(tag) =	ssettag $0x2  }
0x115: {  	s0 =	rddreg [dreg:$0x0];
	s2 =	stileid.u32  }
0x116: {  	s1 =	rddreg [dreg:$0x1];
	p0 =	sne.s32 s2, $0x0  }
0x117: {  	s3 =	rddreg [dreg:$0x2];
	[bflag:$0x3] =	sbarrier.arrive $0xFFFF;
	s2 =	simm.s32 @!p0 $0x1C02  }
0x118: {  	[timem:s3], [sflag:s2] =	dma.local @!p0 [hbm:s0], s1  }
0x119: {  	s0 =	simm.s32 @!p0 $0x2  }
0x11a: {  	_ =	swait.ge @!p0 [sflag:s0], s1  }
0x11b: {  	s1 =	ssub.s32 @!p0 $0x0, s1;
	[sflag:s0] =	ssyncset.done @!p0 $0x0  }
0x11c: {  	[sflag:s0] =	ssyncadd.s32 @!p0 s1  }
0x11d: {  	[bflag:$0x3] =	sbarrier.arrive $0xFFFF  }
0x11e: {  	_ =	shalt  }

</sc_bundles>
